<compile_context>
chip_gen: v7x
topology: tpu7x:2x2x1
jax: 0.10.2.dev20260603
libtpu: 0.0.44.dev20260713+nightly
codegen_flags: <defaults>
</compile_context>

<pallas_src>
import functools

import jax
import jax.numpy as jnp
from jax import lax
from jax.experimental import pallas as pl
from jax.experimental.pallas import tpu as pltpu
from jax.experimental.pallas import tpu_sc as plsc

NNODES = 10000
NPAD = 10240
NEDGES = 320000
CH = 128
NCH = 79
EPT = NCH * CH
NW = 32
EPAD = EPT * NW
ROWS_PT = NPAD // 16
BLK = 1024
GRID = NPAD // BLK


def _sc_mesh():
    return plsc.VectorSubcoreMesh(
        core_axis_name="c", subcore_axis_name="s", num_cores=2, num_subcores=16
    )



def _make_deg():

    @functools.partial(
        pl.kernel,
        out_type=jax.ShapeDtypeStruct((NW, NPAD), jnp.float32),
        mesh=_sc_mesh(),
        scratch_types=[
            pltpu.VMEM((NCH, CH), jnp.int32),
            pltpu.VMEM((NPAD,), jnp.float32),
        ],
        compiler_params=pltpu.CompilerParams(needs_layout_passes=False),
    )
    def deg(dst_hbm, out_hbm, dst_v, bins_v):
        c = lax.axis_index("c")
        s = lax.axis_index("s")
        wid = s * 2 + c

        def zero(i, _):
            bins_v[pl.ds(i * 16, 16)] = jnp.zeros((16,), jnp.float32)
            return _

        lax.fori_loop(0, NPAD // 16, zero, None)
        pltpu.sync_copy(dst_hbm.at[wid], dst_v)
        ones16 = jnp.full((16,), 1.0, jnp.float32)

        def body(j, _):
            for k in range(CH // 16):
                idx = dst_v[j, pl.ds(k * 16, 16)]
                plsc.addupdate_scatter(bins_v, [idx], ones16)
            return _

        lax.fori_loop(0, NCH, body, None)
        pltpu.sync_copy(bins_v, out_hbm.at[wid])

    return deg


def _make_agg(D):

    @functools.partial(
        pl.kernel,
        out_type=jax.ShapeDtypeStruct((2, NPAD, D), jnp.float32),
        mesh=_sc_mesh(),
        scratch_types=[
            pltpu.VMEM((NCH, CH), jnp.int32),
            pltpu.VMEM((NCH, CH), jnp.int32),
            pltpu.VMEM((CH, D), jnp.float32),
            pltpu.VMEM_SHARED((NPAD, D), jnp.float32),
            pltpu.SemaphoreType.DMA,
        ],
    )
    def agg(src_hbm, dst_hbm, table_hbm, out_hbm, src_v, dst_v, rows_v,
            acc_sh, sem):
        c = lax.axis_index("c")
        s = lax.axis_index("s")
        wid = s * 2 + c

        def zrow(i, _):
            for k in range(D // 16):
                rows_v[i, pl.ds(k * 16, 16)] = jnp.zeros((16,), jnp.float32)
            return _

        lax.fori_loop(0, CH, zrow, None)
        row0 = s * ROWS_PT
        for b in range(ROWS_PT // CH):
            pltpu.sync_copy(rows_v, acc_sh.at[pl.ds(row0 + b * CH, CH)])
        plsc.subcore_barrier()

        pltpu.sync_copy(src_hbm.at[wid], src_v)
        pltpu.sync_copy(dst_hbm.at[wid], dst_v)

        def body(j, _):
            pltpu.async_copy(table_hbm.at[src_v.at[j]], rows_v, sem).wait()
            pltpu.sync_copy(rows_v, acc_sh.at[dst_v.at[j]], add=True)
            return _

        lax.fori_loop(0, NCH, body, None)
        plsc.subcore_barrier()
        pltpu.sync_copy(
            acc_sh.at[pl.ds(row0, ROWS_PT)], out_hbm.at[c, pl.ds(row0, ROWS_PT)]
        )

    return agg



def _dinv_body(p_ref, o_ref):
    deg = jnp.sum(p_ref[...], axis=0) + 1.0
    o_ref[...] = lax.rsqrt(deg)


def _mm1_body(x_ref, w_ref, dinv_ref, o_ref):
    h = lax.dot_general(
        x_ref[...], w_ref[...], (((1,), (1,)), ((), ())),
        preferred_element_type=jnp.float32,
    )
    o_ref[...] = h * dinv_ref[...]


def _mid_body(acc_ref, g1_ref, dinv_ref, b1_ref, w2_ref, o_ref):
    i = pl.program_id(0)
    dinv = dinv_ref[...]
    u = dinv * (acc_ref[0] + acc_ref[1] + g1_ref[...]) + b1_ref[...]
    h = jnp.maximum(u, 0.0)
    rid = lax.broadcasted_iota(jnp.int32, (BLK, 1), 0) + i * BLK
    h = jnp.where(rid < NNODES, h, 0.0)
    g2 = lax.dot_general(
        h, w2_ref[...], (((1,), (1,)), ((), ())),
        preferred_element_type=jnp.float32,
    )
    o_ref[...] = g2 * dinv


def _fin_body(acc_ref, g2_ref, dinv_ref, b2_ref, wfc_ref, bfc_ref,
              n_ref, grep_ref, out_ref, sacc):
    i = pl.program_id(0)
    dinv = dinv_ref[...]
    u = dinv * (acc_ref[0][:, :64] + acc_ref[1][:, :64] + g2_ref[:, :64]) \
        + b2_ref[...]
    h = jnp.maximum(u, 0.0)
    rid = lax.broadcasted_iota(jnp.int32, (BLK, 1), 0) + i * BLK
    h = jnp.where(rid < NNODES, h, 0.0)
    n_ref[...] = h
    bs = jnp.sum(h, axis=0, keepdims=True)

    @pl.when(i == 0)
    def _():
        sacc[...] = bs

    @pl.when(i > 0)
    def _():
        sacc[...] = sacc[...] + bs

    @pl.when(i == GRID - 1)
    def _():
        grep = sacc[...] * (1.0 / NNODES)
        grep_ref[...] = grep
        logits = lax.dot_general(
            grep, wfc_ref[...], (((1,), (1,)), ((), ())),
            preferred_element_type=jnp.float32,
        ) + bfc_ref[...]
        m = jnp.max(logits, axis=1, keepdims=True)
        e = jnp.exp(logits - m)
        out_ref[...] = e / jnp.sum(e, axis=1, keepdims=True)


def kernel(x, edge_index, W1, b1, W2, b2, Wfc, bfc):
    f32 = jnp.float32
    x_pad = jnp.pad(x, ((0, NPAD - NNODES), (0, 0)))
    npad_e = EPAD - NEDGES
    pad_dst = NNODES + 1 + (jnp.arange(npad_e, dtype=jnp.int32) % 239)
    src3 = jnp.pad(edge_index[0], (0, npad_e),
                   constant_values=NNODES).reshape(NW, NCH, CH)
    dst3 = jnp.concatenate([edge_index[1], pad_dst]).reshape(NW, NCH, CH)

    deg_parts = _make_deg()(dst3)
    p2 = deg_parts.reshape(NW, NPAD // 128, 128)

    dinv2 = pl.pallas_call(
        _dinv_body,
        out_shape=jax.ShapeDtypeStruct((NPAD // 128, 128), f32),
    )(p2)
    dinv_col = dinv2.reshape(NPAD, 1)

    g1 = pl.pallas_call(
        _mm1_body,
        grid=(GRID,),
        in_specs=[
            pl.BlockSpec((BLK, 128), lambda i: (i, 0)),
            pl.BlockSpec((128, 128), lambda i: (0, 0)),
            pl.BlockSpec((BLK, 1), lambda i: (i, 0)),
        ],
        out_specs=pl.BlockSpec((BLK, 128), lambda i: (i, 0)),
        out_shape=jax.ShapeDtypeStruct((NPAD, 128), f32),
    )(x_pad, W1, dinv_col)

    acc1 = _make_agg(128)(src3, dst3, g1)

    g2 = pl.pallas_call(
        _mid_body,
        grid=(GRID,),
        in_specs=[
            pl.BlockSpec((2, BLK, 128), lambda i: (0, i, 0)),
            pl.BlockSpec((BLK, 128), lambda i: (i, 0)),
            pl.BlockSpec((BLK, 1), lambda i: (i, 0)),
            pl.BlockSpec((1, 128), lambda i: (0, 0)),
            pl.BlockSpec((128, 128), lambda i: (0, 0)),
        ],
        out_specs=pl.BlockSpec((BLK, 128), lambda i: (i, 0)),
        out_shape=jax.ShapeDtypeStruct((NPAD, 128), f32),
    )(acc1, g1, dinv_col, b1.reshape(1, 128), jnp.pad(W2, ((0, 64), (0, 0))))

    acc2 = _make_agg(128)(src3, dst3, g2)

    n_pad, g_rep, out = pl.pallas_call(
        _fin_body,
        grid=(GRID,),
        in_specs=[
            pl.BlockSpec((2, BLK, 128), lambda i: (0, i, 0)),
            pl.BlockSpec((BLK, 128), lambda i: (i, 0)),
            pl.BlockSpec((BLK, 1), lambda i: (i, 0)),
            pl.BlockSpec((1, 64), lambda i: (0, 0)),
            pl.BlockSpec((2, 64), lambda i: (0, 0)),
            pl.BlockSpec((1, 2), lambda i: (0, 0)),
        ],
        out_specs=[
            pl.BlockSpec((BLK, 64), lambda i: (i, 0)),
            pl.BlockSpec((1, 64), lambda i: (0, 0)),
            pl.BlockSpec((1, 2), lambda i: (0, 0)),
        ],
        out_shape=[
            jax.ShapeDtypeStruct((NPAD, 64), f32),
            jax.ShapeDtypeStruct((1, 64), f32),
            jax.ShapeDtypeStruct((1, 2), f32),
        ],
        scratch_shapes=[pltpu.VMEM((1, 64), f32)],
    )(acc2, g2, dinv_col, b2.reshape(1, 64), Wfc, bfc.reshape(1, 2))

    return (out, n_pad[:NNODES], g_rep)

# --- scband reference (transcript-rebuilt; emitter-appended) ---
"""Pipeline reference for scband-gmap-ad-gcn-6700148982129 (READ-ONLY COPY).

The authoritative reference and input builder live on the scoring server;
editing this copy changes nothing except your own understanding.
"""

import jax, jax.numpy as jnp
import numpy as np

N = 10000


def gcn_conv(x, edge_index, W, b):
    # GCNConv with self-loops and symmetric normalization (PyG default)
    loop = jnp.arange(N, dtype=edge_index.dtype)
    src = jnp.concatenate([edge_index[0], loop])
    dst = jnp.concatenate([edge_index[1], loop])
    h = x @ W.T
    deg = jax.ops.segment_sum(jnp.ones(src.shape[0], dtype=h.dtype), dst, num_segments=N)
    dinv = jnp.where(deg > 0, 1.0 / jnp.sqrt(deg), 0.0)
    norm = dinv[src] * dinv[dst]
    out = jax.ops.segment_sum(h[src] * norm[:, None], dst, num_segments=N)
    return out + b


def setup_inputs(seed: int = 0) -> dict:
    key = jax.random.key(seed)
    ks = jax.random.split(key, 8)
    x = jax.random.normal(ks[0], (N, 128), dtype=jnp.float32)
    edge_index = jax.random.randint(ks[1], (2, 320000), 0, N, dtype=jnp.int32)
    W1 = jax.random.normal(ks[2], (128, 128), dtype=jnp.float32) * (1.0 / np.sqrt(128))
    b1 = jnp.zeros((128,), dtype=jnp.float32)
    W2 = jax.random.normal(ks[3], (64, 128), dtype=jnp.float32) * (1.0 / np.sqrt(128))
    b2 = jnp.zeros((64,), dtype=jnp.float32)
    Wfc = jax.random.normal(ks[4], (2, 64), dtype=jnp.float32) * (1.0 / np.sqrt(64))
    bfc = jnp.zeros((2,), dtype=jnp.float32)
    return {"x": x, "edge_index": edge_index, "W1": W1, "b1": b1, "W2": W2, "b2": b2, "Wfc": Wfc, "bfc": bfc}


def reference(x, edge_index, W1, b1, W2, b2, Wfc, bfc):
    h = jax.nn.relu(gcn_conv(x, edge_index, W1, b1))
    n_reps = jax.nn.relu(gcn_conv(h, edge_index, W2, b2))
    g_rep = jnp.mean(n_reps, axis=0, keepdims=True)
    # dropout p=0.5 is identity in eval mode
    logits = g_rep @ Wfc.T + bfc
    out = jax.nn.softmax(logits, axis=1)
    return (out, n_reps, g_rep)

if __name__ == "__main__":
    import jax
    _d = setup_inputs()
    print(jax.jit(kernel)(*tuple(_d.values())))

</pallas_src>

<mosaic_0001>
#map = affine_map<(d0, d1) -> (0, 0, 0)>
#map1 = affine_map<(d0, d1) -> (0, 0)>
module attributes {stable_mosaic.version = 14 : i64} {
  func.func @agg(%arg0: i32, %arg1: i32, %arg2: memref<32x79x128xi32, #tpu.memory_space<hbm>>, %arg3: memref<32x79x128xi32, #tpu.memory_space<hbm>>, %arg4: memref<10240x128xf32, #tpu.memory_space<hbm>>, %arg5: memref<2x10240x128xf32, #tpu.memory_space<hbm>>, %arg6: memref<79x128xi32, #tpu.memory_space<vmem>>, %arg7: memref<79x128xi32, #tpu.memory_space<vmem>>, %arg8: memref<128x128xf32, #tpu.memory_space<vmem>>, %arg9: memref<10240x128xf32, #tpu.memory_space<vmem_shared>>, %arg10: memref<!tpu.dma_semaphore, #tpu.memory_space<semaphore_mem>>) attributes {dimension_semantics = [#tpu.dimension_semantics<core_parallel>, #tpu.dimension_semantics<subcore_parallel>], iteration_bounds = array<i64: 2, 16>, scalar_prefetch = 0 : i64, scratch_operands = 5 : i64, tpu.core_type = #tpu.core_type<sc_vector_subcore>, window_params = [{transform_indices = #map}, {transform_indices = #map}, {transform_indices = #map1}, {transform_indices = #map}]} {
    %mul3A = arith.constant 2 : i32
    %mul3A_0 = arith.muli %arg1, %mul3A : i32
    %add3A = arith.addi %mul3A_0, %arg0 : i32
    %scan3A = arith.constant 0 : i32
    %scan3A_1 = arith.constant 128 : i32
    %scan3A_2 = arith.addi %scan3A, %scan3A_1 : i32
    %scan3A_3 = arith.constant 1 : i32
    scf.for %scan3A_23 = %scan3A to %scan3A_2 step %scan3A_3  : i32 {
      %broadcast_in_dim3A = arith.constant 0.000000e+00 : f32
      %broadcast_in_dim3A_24 = vector.broadcast %broadcast_in_dim3A : f32 to vector<16xf32>
      %swap3A = arith.index_cast %scan3A_23 : i32 to index
      %swap3A_25 = arith.constant 0 : index
      %swap3A_26 = tpu.vector_load %arg8[%swap3A, %swap3A_25] {strides = array<i32>} : memref<128x128xf32, #tpu.memory_space<vmem>>, vector<1x16xf32>,
      %swap3A_27 = vector.shape_cast %swap3A_26 : vector<1x16xf32> to vector<16xf32>
      %swap3A_28 = vector.shape_cast %broadcast_in_dim3A_24 : vector<16xf32> to vector<1x16xf32>
      tpu.vector_store %arg8[%swap3A, %swap3A_25], %swap3A_28 {strides = array<i32>} : memref<128x128xf32, #tpu.memory_space<vmem>>, vector<1x16xf32>,
      %broadcast_in_dim3A_29 = arith.constant 0.000000e+00 : f32
      %broadcast_in_dim3A_30 = vector.broadcast %broadcast_in_dim3A_29 : f32 to vector<16xf32>
      %swap3A_31 = arith.index_cast %scan3A_23 : i32 to index
      %swap3A_32 = arith.constant 16 : index
      %swap3A_33 = tpu.vector_load %arg8[%swap3A_31, %swap3A_32] {strides = array<i32>} : memref<128x128xf32, #tpu.memory_space<vmem>>, vector<1x16xf32>,
      %swap3A_34 = vector.shape_cast %swap3A_33 : vector<1x16xf32> to vector<16xf32>
      %swap3A_35 = vector.shape_cast %broadcast_in_dim3A_30 : vector<16xf32> to vector<1x16xf32>
      tpu.vector_store %arg8[%swap3A_31, %swap3A_32], %swap3A_35 {strides = array<i32>} : memref<128x128xf32, #tpu.memory_space<vmem>>, vector<1x16xf32>,
      %broadcast_in_dim3A_36 = arith.constant 0.000000e+00 : f32
      %broadcast_in_dim3A_37 = vector.broadcast %broadcast_in_dim3A_36 : f32 to vector<16xf32>
      %swap3A_38 = arith.index_cast %scan3A_23 : i32 to index
      %swap3A_39 = arith.constant 32 : index
      %swap3A_40 = tpu.vector_load %arg8[%swap3A_38, %swap3A_39] {strides = array<i32>} : memref<128x128xf32, #tpu.memory_space<vmem>>, vector<1x16xf32>,
      %swap3A_41 = vector.shape_cast %swap3A_40 : vector<1x16xf32> to vector<16xf32>
      %swap3A_42 = vector.shape_cast %broadcast_in_dim3A_37 : vector<16xf32> to vector<1x16xf32>
      tpu.vector_store %arg8[%swap3A_38, %swap3A_39], %swap3A_42 {strides = array<i32>} : memref<128x128xf32, #tpu.memory_space<vmem>>, vector<1x16xf32>,
      %broadcast_in_dim3A_43 = arith.constant 0.000000e+00 : f32
      %broadcast_in_dim3A_44 = vector.broadcast %broadcast_in_dim3A_43 : f32 to vector<16xf32>
      %swap3A_45 = arith.index_cast %scan3A_23 : i32 to index
      %swap3A_46 = arith.constant 48 : index
      %swap3A_47 = tpu.vector_load %arg8[%swap3A_45, %swap3A_46] {strides = array<i32>} : memref<128x128xf32, #tpu.memory_space<vmem>>, vector<1x16xf32>,
      %swap3A_48 = vector.shape_cast %swap3A_47 : vector<1x16xf32> to vector<16xf32>
      %swap3A_49 = vector.shape_cast %broadcast_in_dim3A_44 : vector<16xf32> to vector<1x16xf32>
      tpu.vector_store %arg8[%swap3A_45, %swap3A_46], %swap3A_49 {strides = array<i32>} : memref<128x128xf32, #tpu.memory_space<vmem>>, vector<1x16xf32>,
      %broadcast_in_dim3A_50 = arith.constant 0.000000e+00 : f32
      %broadcast_in_dim3A_51 = vector.broadcast %broadcast_in_dim3A_50 : f32 to vector<16xf32>
      %swap3A_52 = arith.index_cast %scan3A_23 : i32 to index
      %swap3A_53 = arith.constant 64 : index
      %swap3A_54 = tpu.vector_load %arg8[%swap3A_52, %swap3A_53] {strides = array<i32>} : memref<128x128xf32, #tpu.memory_space<vmem>>, vector<1x16xf32>,
      %swap3A_55 = vector.shape_cast %swap3A_54 : vector<1x16xf32> to vector<16xf32>
      %swap3A_56 = vector.shape_cast %broadcast_in_dim3A_51 : vector<16xf32> to vector<1x16xf32>
      tpu.vector_store %arg8[%swap3A_52, %swap3A_53], %swap3A_56 {strides = array<i32>} : memref<128x128xf32, #tpu.memory_space<vmem>>, vector<1x16xf32>,
      %broadcast_in_dim3A_57 = arith.constant 0.000000e+00 : f32
      %broadcast_in_dim3A_58 = vector.broadcast %broadcast_in_dim3A_57 : f32 to vector<16xf32>
      %swap3A_59 = arith.index_cast %scan3A_23 : i32 to index
      %swap3A_60 = arith.constant 80 : index
      %swap3A_61 = tpu.vector_load %arg8[%swap3A_59, %swap3A_60] {strides = array<i32>} : memref<128x128xf32, #tpu.memory_space<vmem>>, vector<1x16xf32>,
      %swap3A_62 = vector.shape_cast %swap3A_61 : vector<1x16xf32> to vector<16xf32>
      %swap3A_63 = vector.shape_cast %broadcast_in_dim3A_58 : vector<16xf32> to vector<1x16xf32>
      tpu.vector_store %arg8[%swap3A_59, %swap3A_60], %swap3A_63 {strides = array<i32>} : memref<128x128xf32, #tpu.memory_space<vmem>>, vector<1x16xf32>,
      %broadcast_in_dim3A_64 = arith.constant 0.000000e+00 : f32
      %broadcast_in_dim3A_65 = vector.broadcast %broadcast_in_dim3A_64 : f32 to vector<16xf32>
      %swap3A_66 = arith.index_cast %scan3A_23 : i32 to index
      %swap3A_67 = arith.constant 96 : index
      %swap3A_68 = tpu.vector_load %arg8[%swap3A_66, %swap3A_67] {strides = array<i32>} : memref<128x128xf32, #tpu.memory_space<vmem>>, vector<1x16xf32>,
      %swap3A_69 = vector.shape_cast %swap3A_68 : vector<1x16xf32> to vector<16xf32>
      %swap3A_70 = vector.shape_cast %broadcast_in_dim3A_65 : vector<16xf32> to vector<1x16xf32>
      tpu.vector_store %arg8[%swap3A_66, %swap3A_67], %swap3A_70 {strides = array<i32>} : memref<128x128xf32, #tpu.memory_space<vmem>>, vector<1x16xf32>,
      %broadcast_in_dim3A_71 = arith.constant 0.000000e+00 : f32
      %broadcast_in_dim3A_72 = vector.broadcast %broadcast_in_dim3A_71 : f32 to vector<16xf32>
      %swap3A_73 = arith.index_cast %scan3A_23 : i32 to index
      %swap3A_74 = arith.constant 112 : index
      %swap3A_75 = tpu.vector_load %arg8[%swap3A_73, %swap3A_74] {strides = array<i32>} : memref<128x128xf32, #tpu.memory_space<vmem>>, vector<1x16xf32>,
      %swap3A_76 = vector.shape_cast %swap3A_75 : vector<1x16xf32> to vector<16xf32>
      %swap3A_77 = vector.shape_cast %broadcast_in_dim3A_72 : vector<16xf32> to vector<1x16xf32>
      tpu.vector_store %arg8[%swap3A_73, %swap3A_74], %swap3A_77 {strides = array<i32>} : memref<128x128xf32, #tpu.memory_space<vmem>>, vector<1x16xf32>,
    }
    %scan3A_4 = arith.constant 128 : i32
    %mul3A_5 = arith.constant 640 : i32
    %mul3A_6 = arith.muli %arg1, %mul3A_5 : i32
    %add3A_7 = arith.constant 0 : i32
    %add3A_8 = arith.addi %mul3A_6, %add3A_7 : i32
    "tpu.region"() ({
      %run_scoped3A = tpu.sem_alloc : memref<!tpu.dma_semaphore, #tpu.memory_space<semaphore_mem>>
      %dma_start3A = arith.constant 0 : i32
      %dma_start3A_23 = tpu.memref_slice %arg9[%add3A_8, %dma_start3A] : memref<10240x128xf32, #tpu.memory_space<vmem_shared>> -> memref<128x128xf32, #tpu.memory_space<vmem_shared>>
      %dma_start3A_24 = arith.constant 0 : i32
      %dma_start3A_25 = tpu.memref_slice %arg9[%add3A_8, %dma_start3A_24] : memref<10240x128xf32, #tpu.memory_space<vmem_shared>> -> memref<128x128xf32, #tpu.memory_space<vmem_shared>>
      tpu.enqueue_dma source(%arg8 : memref<128x128xf32, #tpu.memory_space<vmem>>) target(%dma_start3A_25 : memref<128x128xf32, #tpu.memory_space<vmem_shared>>) target_semaphore(%run_scoped3A : memref<!tpu.dma_semaphore, #tpu.memory_space<semaphore_mem>>)
      %dma_wait3A = arith.constant 0 : i32
      %dma_wait3A_26 = tpu.memref_slice %arg9[%add3A_8, %dma_wait3A] : memref<10240x128xf32, #tpu.memory_space<vmem_shared>> -> memref<128x128xf32, #tpu.memory_space<vmem_shared>>
      %dma_wait3A_27 = arith.constant 0 : i32
      %dma_wait3A_28 = tpu.memref_slice %arg9[%add3A_8, %dma_wait3A_27] : memref<10240x128xf32, #tpu.memory_space<vmem_shared>> -> memref<128x128xf32, #tpu.memory_space<vmem_shared>>
      tpu.wait_dma2 semaphore(%run_scoped3A : memref<!tpu.dma_semaphore, #tpu.memory_space<semaphore_mem>>) src(%arg8 : memref<128x128xf32, #tpu.memory_space<vmem>>) dst(%dma_wait3A_28 : memref<128x128xf32, #tpu.memory_space<vmem_shared>>)
      tpu.yield
    }) : () -> ()
    %add3A_9 = arith.constant 128 : i32
    %add3A_10 = arith.addi %mul3A_6, %add3A_9 : i32
    "tpu.region"() ({
      %run_scoped3A = tpu.sem_alloc : memref<!tpu.dma_semaphore, #tpu.memory_space<semaphore_mem>>
      %dma_start3A = arith.constant 0 : i32
      %dma_start3A_23 = tpu.memref_slice %arg9[%add3A_10, %dma_start3A] : memref<10240x128xf32, #tpu.memory_space<vmem_shared>> -> memref<128x128xf32, #tpu.memory_space<vmem_shared>>
      %dma_start3A_24 = arith.constant 0 : i32
      %dma_start3A_25 = tpu.memref_slice %arg9[%add3A_10, %dma_start3A_24] : memref<10240x128xf32, #tpu.memory_space<vmem_shared>> -> memref<128x128xf32, #tpu.memory_space<vmem_shared>>
      tpu.enqueue_dma source(%arg8 : memref<128x128xf32, #tpu.memory_space<vmem>>) target(%dma_start3A_25 : memref<128x128xf32, #tpu.memory_space<vmem_shared>>) target_semaphore(%run_scoped3A : memref<!tpu.dma_semaphore, #tpu.memory_space<semaphore_mem>>)
      %dma_wait3A = arith.constant 0 : i32
      %dma_wait3A_26 = tpu.memref_slice %arg9[%add3A_10, %dma_wait3A] : memref<10240x128xf32, #tpu.memory_space<vmem_shared>> -> memref<128x128xf32, #tpu.memory_space<vmem_shared>>
      %dma_wait3A_27 = arith.constant 0 : i32
      %dma_wait3A_28 = tpu.memref_slice %arg9[%add3A_10, %dma_wait3A_27] : memref<10240x128xf32, #tpu.memory_space<vmem_shared>> -> memref<128x128xf32, #tpu.memory_space<vmem_shared>>
      tpu.wait_dma2 semaphore(%run_scoped3A : memref<!tpu.dma_semaphore, #tpu.memory_space<semaphore_mem>>) src(%arg8 : memref<128x128xf32, #tpu.memory_space<vmem>>) dst(%dma_wait3A_28 : memref<128x128xf32, #tpu.memory_space<vmem_shared>>)
      tpu.yield
    }) : () -> ()
    %add3A_11 = arith.constant 256 : i32
    %add3A_12 = arith.addi %mul3A_6, %add3A_11 : i32
    "tpu.region"() ({
      %run_scoped3A = tpu.sem_alloc : memref<!tpu.dma_semaphore, #tpu.memory_space<semaphore_mem>>
      %dma_start3A = arith.constant 0 : i32
      %dma_start3A_23 = tpu.memref_slice %arg9[%add3A_12, %dma_start3A] : memref<10240x128xf32, #tpu.memory_space<vmem_shared>> -> memref<128x128xf32, #tpu.memory_space<vmem_shared>>
      %dma_start3A_24 = arith.constant 0 : i32
      %dma_start3A_25 = tpu.memref_slice %arg9[%add3A_12, %dma_start3A_24] : memref<10240x128xf32, #tpu.memory_space<vmem_shared>> -> memref<128x128xf32, #tpu.memory_space<vmem_shared>>
      tpu.enqueue_dma source(%arg8 : memref<128x128xf32, #tpu.memory_space<vmem>>) target(%dma_start3A_25 : memref<128x128xf32, #tpu.memory_space<vmem_shared>>) target_semaphore(%run_scoped3A : memref<!tpu.dma_semaphore, #tpu.memory_space<semaphore_mem>>)
      %dma_wait3A = arith.constant 0 : i32
      %dma_wait3A_26 = tpu.memref_slice %arg9[%add3A_12, %dma_wait3A] : memref<10240x128xf32, #tpu.memory_space<vmem_shared>> -> memref<128x128xf32, #tpu.memory_space<vmem_shared>>
      %dma_wait3A_27 = arith.constant 0 : i32
      %dma_wait3A_28 = tpu.memref_slice %arg9[%add3A_12, %dma_wait3A_27] : memref<10240x128xf32, #tpu.memory_space<vmem_shared>> -> memref<128x128xf32, #tpu.memory_space<vmem_shared>>
      tpu.wait_dma2 semaphore(%run_scoped3A : memref<!tpu.dma_semaphore, #tpu.memory_space<semaphore_mem>>) src(%arg8 : memref<128x128xf32, #tpu.memory_space<vmem>>) dst(%dma_wait3A_28 : memref<128x128xf32, #tpu.memory_space<vmem_shared>>)
      tpu.yield
    }) : () -> ()
    %add3A_13 = arith.constant 384 : i32
    %add3A_14 = arith.addi %mul3A_6, %add3A_13 : i32
    "tpu.region"() ({
      %run_scoped3A = tpu.sem_alloc : memref<!tpu.dma_semaphore, #tpu.memory_space<semaphore_mem>>
      %dma_start3A = arith.constant 0 : i32
      %dma_start3A_23 = tpu.memref_slice %arg9[%add3A_14, %dma_start3A] : memref<10240x128xf32, #tpu.memory_space<vmem_shared>> -> memref<128x128xf32, #tpu.memory_space<vmem_shared>>
      %dma_start3A_24 = arith.constant 0 : i32
      %dma_start3A_25 = tpu.memref_slice %arg9[%add3A_14, %dma_start3A_24] : memref<10240x128xf32, #tpu.memory_space<vmem_shared>> -> memref<128x128xf32, #tpu.memory_space<vmem_shared>>
      tpu.enqueue_dma source(%arg8 : memref<128x128xf32, #tpu.memory_space<vmem>>) target(%dma_start3A_25 : memref<128x128xf32, #tpu.memory_space<vmem_shared>>) target_semaphore(%run_scoped3A : memref<!tpu.dma_semaphore, #tpu.memory_space<semaphore_mem>>)
      %dma_wait3A = arith.constant 0 : i32
      %dma_wait3A_26 = tpu.memref_slice %arg9[%add3A_14, %dma_wait3A] : memref<10240x128xf32, #tpu.memory_space<vmem_shared>> -> memref<128x128xf32, #tpu.memory_space<vmem_shared>>
      %dma_wait3A_27 = arith.constant 0 : i32
      %dma_wait3A_28 = tpu.memref_slice %arg9[%add3A_14, %dma_wait3A_27] : memref<10240x128xf32, #tpu.memory_space<vmem_shared>> -> memref<128x128xf32, #tpu.memory_space<vmem_shared>>
      tpu.wait_dma2 semaphore(%run_scoped3A : memref<!tpu.dma_semaphore, #tpu.memory_space<semaphore_mem>>) src(%arg8 : memref<128x128xf32, #tpu.memory_space<vmem>>) dst(%dma_wait3A_28 : memref<128x128xf32, #tpu.memory_space<vmem_shared>>)
      tpu.yield
    }) : () -> ()
    %add3A_15 = arith.constant 512 : i32
    %add3A_16 = arith.addi %mul3A_6, %add3A_15 : i32
    "tpu.region"() ({
      %run_scoped3A = tpu.sem_alloc : memref<!tpu.dma_semaphore, #tpu.memory_space<semaphore_mem>>
      %dma_start3A = arith.constant 0 : i32
      %dma_start3A_23 = tpu.memref_slice %arg9[%add3A_16, %dma_start3A] : memref<10240x128xf32, #tpu.memory_space<vmem_shared>> -> memref<128x128xf32, #tpu.memory_space<vmem_shared>>
      %dma_start3A_24 = arith.constant 0 : i32
      %dma_start3A_25 = tpu.memref_slice %arg9[%add3A_16, %dma_start3A_24] : memref<10240x128xf32, #tpu.memory_space<vmem_shared>> -> memref<128x128xf32, #tpu.memory_space<vmem_shared>>
      tpu.enqueue_dma source(%arg8 : memref<128x128xf32, #tpu.memory_space<vmem>>) target(%dma_start3A_25 : memref<128x128xf32, #tpu.memory_space<vmem_shared>>) target_semaphore(%run_scoped3A : memref<!tpu.dma_semaphore, #tpu.memory_space<semaphore_mem>>)
      %dma_wait3A = arith.constant 0 : i32
      %dma_wait3A_26 = tpu.memref_slice %arg9[%add3A_16, %dma_wait3A] : memref<10240x128xf32, #tpu.memory_space<vmem_shared>> -> memref<128x128xf32, #tpu.memory_space<vmem_shared>>
      %dma_wait3A_27 = arith.constant 0 : i32
      %dma_wait3A_28 = tpu.memref_slice %arg9[%add3A_16, %dma_wait3A_27] : memref<10240x128xf32, #tpu.memory_space<vmem_shared>> -> memref<128x128xf32, #tpu.memory_space<vmem_shared>>
      tpu.wait_dma2 semaphore(%run_scoped3A : memref<!tpu.dma_semaphore, #tpu.memory_space<semaphore_mem>>) src(%arg8 : memref<128x128xf32, #tpu.memory_space<vmem>>) dst(%dma_wait3A_28 : memref<128x128xf32, #tpu.memory_space<vmem_shared>>)
      tpu.yield
    }) : () -> ()
    %barrier3A = arith.constant 0 : index
    tpu.barrier barrier_id(%barrier3A)
    "tpu.region"() ({
      %run_scoped3A = tpu.sem_alloc : memref<!tpu.dma_semaphore, #tpu.memory_space<semaphore_mem>>
      %dma_start3A = arith.constant 0 : i32
      %dma_start3A_23 = arith.constant 0 : i32
      %dma_start3A_24 = tpu.memref_slice %arg2[%add3A, %dma_start3A, %dma_start3A_23] : memref<32x79x128xi32, #tpu.memory_space<hbm>> -> memref<1x79x128xi32, #tpu.memory_space<hbm>>
      %dma_start3A_25 = tpu.memref_squeeze %dma_start3A_24 : memref<1x79x128xi32, #tpu.memory_space<hbm>> -> memref<79x128xi32, #tpu.memory_space<hbm>>
      %dma_start3A_26 = arith.constant 0 : i32
      %dma_start3A_27 = arith.constant 0 : i32
      %dma_start3A_28 = tpu.memref_slice %arg2[%add3A, %dma_start3A_26, %dma_start3A_27] : memref<32x79x128xi32, #tpu.memory_space<hbm>> -> memref<1x79x128xi32, #tpu.memory_space<hbm>>
      %dma_start3A_29 = tpu.memref_squeeze %dma_start3A_28 : memref<1x79x128xi32, #tpu.memory_space<hbm>> -> memref<79x128xi32, #tpu.memory_space<hbm>>
      tpu.enqueue_dma source(%dma_start3A_29 : memref<79x128xi32, #tpu.memory_space<hbm>>) target(%arg6 : memref<79x128xi32, #tpu.memory_space<vmem>>) target_semaphore(%run_scoped3A : memref<!tpu.dma_semaphore, #tpu.memory_space<semaphore_mem>>)
      %dma_wait3A = arith.constant 0 : i32
      %dma_wait3A_30 = arith.constant 0 : i32
      %dma_wait3A_31 = tpu.memref_slice %arg2[%add3A, %dma_wait3A, %dma_wait3A_30] : memref<32x79x128xi32, #tpu.memory_space<hbm>> -> memref<1x79x128xi32, #tpu.memory_space<hbm>>
      %dma_wait3A_32 = tpu.memref_squeeze %dma_wait3A_31 : memref<1x79x128xi32, #tpu.memory_space<hbm>> -> memref<79x128xi32, #tpu.memory_space<hbm>>
      %dma_wait3A_33 = arith.constant 0 : i32
      %dma_wait3A_34 = arith.constant 0 : i32
      %dma_wait3A_35 = tpu.memref_slice %arg2[%add3A, %dma_wait3A_33, %dma_wait3A_34] : memref<32x79x128xi32, #tpu.memory_space<hbm>> -> memref<1x79x128xi32, #tpu.memory_space<hbm>>
      %dma_wait3A_36 = tpu.memref_squeeze %dma_wait3A_35 : memref<1x79x128xi32, #tpu.memory_space<hbm>> -> memref<79x128xi32, #tpu.memory_space<hbm>>
      tpu.wait_dma2 semaphore(%run_scoped3A : memref<!tpu.dma_semaphore, #tpu.memory_space<semaphore_mem>>) src(%dma_wait3A_36 : memref<79x128xi32, #tpu.memory_space<hbm>>) dst(%arg6 : memref<79x128xi32, #tpu.memory_space<vmem>>)
      tpu.yield
    }) : () -> ()
    "tpu.region"() ({
      %run_scoped3A = tpu.sem_alloc : memref<!tpu.dma_semaphore, #tpu.memory_space<semaphore_mem>>
      %dma_start3A = arith.constant 0 : i32
      %dma_start3A_23 = arith.constant 0 : i32
      %dma_start3A_24 = tpu.memref_slice %arg3[%add3A, %dma_start3A, %dma_start3A_23] : memref<32x79x128xi32, #tpu.memory_space<hbm>> -> memref<1x79x128xi32, #tpu.memory_space<hbm>>
      %dma_start3A_25 = tpu.memref_squeeze %dma_start3A_24 : memref<1x79x128xi32, #tpu.memory_space<hbm>> -> memref<79x128xi32, #tpu.memory_space<hbm>>
      %dma_start3A_26 = arith.constant 0 : i32
      %dma_start3A_27 = arith.constant 0 : i32
      %dma_start3A_28 = tpu.memref_slice %arg3[%add3A, %dma_start3A_26, %dma_start3A_27] : memref<32x79x128xi32, #tpu.memory_space<hbm>> -> memref<1x79x128xi32, #tpu.memory_space<hbm>>
      %dma_start3A_29 = tpu.memref_squeeze %dma_start3A_28 : memref<1x79x128xi32, #tpu.memory_space<hbm>> -> memref<79x128xi32, #tpu.memory_space<hbm>>
      tpu.enqueue_dma source(%dma_start3A_29 : memref<79x128xi32, #tpu.memory_space<hbm>>) target(%arg7 : memref<79x128xi32, #tpu.memory_space<vmem>>) target_semaphore(%run_scoped3A : memref<!tpu.dma_semaphore, #tpu.memory_space<semaphore_mem>>)
      %dma_wait3A = arith.constant 0 : i32
      %dma_wait3A_30 = arith.constant 0 : i32
      %dma_wait3A_31 = tpu.memref_slice %arg3[%add3A, %dma_wait3A, %dma_wait3A_30] : memref<32x79x128xi32, #tpu.memory_space<hbm>> -> memref<1x79x128xi32, #tpu.memory_space<hbm>>
      %dma_wait3A_32 = tpu.memref_squeeze %dma_wait3A_31 : memref<1x79x128xi32, #tpu.memory_space<hbm>> -> memref<79x128xi32, #tpu.memory_space<hbm>>
      %dma_wait3A_33 = arith.constant 0 : i32
      %dma_wait3A_34 = arith.constant 0 : i32
      %dma_wait3A_35 = tpu.memref_slice %arg3[%add3A, %dma_wait3A_33, %dma_wait3A_34] : memref<32x79x128xi32, #tpu.memory_space<hbm>> -> memref<1x79x128xi32, #tpu.memory_space<hbm>>
      %dma_wait3A_36 = tpu.memref_squeeze %dma_wait3A_35 : memref<1x79x128xi32, #tpu.memory_space<hbm>> -> memref<79x128xi32, #tpu.memory_space<hbm>>
      tpu.wait_dma2 semaphore(%run_scoped3A : memref<!tpu.dma_semaphore, #tpu.memory_space<semaphore_mem>>) src(%dma_wait3A_36 : memref<79x128xi32, #tpu.memory_space<hbm>>) dst(%arg7 : memref<79x128xi32, #tpu.memory_space<vmem>>)
      tpu.yield
    }) : () -> ()
    %scan3A_17 = arith.constant 0 : i32
    %scan3A_18 = arith.constant 79 : i32
    %scan3A_19 = arith.addi %scan3A_17, %scan3A_18 : i32
    %scan3A_20 = arith.constant 1 : i32
    scf.for %scan3A_23 = %scan3A_17 to %scan3A_19 step %scan3A_20  : i32 {
      %dma_start3A = arith.constant 0 : i32
      %dma_start3A_24 = tpu.memref_slice %arg6[%scan3A_23, %dma_start3A] : memref<79x128xi32, #tpu.memory_space<vmem>> -> memref<1x128xi32, #tpu.memory_space<vmem>>
      %dma_start3A_25 = tpu.memref_squeeze %dma_start3A_24 : memref<1x128xi32, #tpu.memory_space<vmem>> -> memref<128xi32, #tpu.memory_space<vmem>>
      %dma_start3A_26 = arith.constant 0 : i32
      %dma_start3A_27 = arith.constant 0 : i32
      %dma_start3A_28 = tpu.memref_slice %arg4[%dma_start3A_26, %dma_start3A_27] : memref<10240x128xf32, #tpu.memory_space<hbm>> -> memref<10240x128xf32, #tpu.memory_space<hbm>>
      tpu.enqueue_indirect_dma source(%dma_start3A_28 : memref<10240x128xf32, #tpu.memory_space<hbm>>) target(%arg8 : memref<128x128xf32, #tpu.memory_space<vmem>>) offsets(%dma_start3A_25 : memref<128xi32, #tpu.memory_space<vmem>>) semaphore(%arg10 : memref<!tpu.dma_semaphore, #tpu.memory_space<semaphore_mem>>)
      %dma_wait3A = arith.constant 0 : i32
      %dma_wait3A_29 = tpu.memref_slice %arg6[%scan3A_23, %dma_wait3A] : memref<79x128xi32, #tpu.memory_space<vmem>> -> memref<1x128xi32, #tpu.memory_space<vmem>>
      %dma_wait3A_30 = tpu.memref_squeeze %dma_wait3A_29 : memref<1x128xi32, #tpu.memory_space<vmem>> -> memref<128xi32, #tpu.memory_space<vmem>>
      %dma_wait3A_31 = arith.constant 0 : i32
      %dma_wait3A_32 = arith.constant 0 : i32
      %dma_wait3A_33 = tpu.memref_slice %arg4[%dma_wait3A_31, %dma_wait3A_32] : memref<10240x128xf32, #tpu.memory_space<hbm>> -> memref<10240x128xf32, #tpu.memory_space<hbm>>
      tpu.wait_indirect_dma semaphore(%arg10 : memref<!tpu.dma_semaphore, #tpu.memory_space<semaphore_mem>>) src(%dma_wait3A_33 : memref<10240x128xf32, #tpu.memory_space<hbm>>) dst(%arg8 : memref<128x128xf32, #tpu.memory_space<vmem>>)
      "tpu.region"() ({
        %run_scoped3A = tpu.sem_alloc : memref<!tpu.dma_semaphore, #tpu.memory_space<semaphore_mem>>
        %dma_start3A_34 = arith.constant 0 : i32
        %dma_start3A_35 = tpu.memref_slice %arg7[%scan3A_23, %dma_start3A_34] : memref<79x128xi32, #tpu.memory_space<vmem>> -> memref<1x128xi32, #tpu.memory_space<vmem>>
        %dma_start3A_36 = tpu.memref_squeeze %dma_start3A_35 : memref<1x128xi32, #tpu.memory_space<vmem>> -> memref<128xi32, #tpu.memory_space<vmem>>
        %dma_start3A_37 = arith.constant 0 : i32
        %dma_start3A_38 = arith.constant 0 : i32
        %dma_start3A_39 = tpu.memref_slice %arg9[%dma_start3A_37, %dma_start3A_38] : memref<10240x128xf32, #tpu.memory_space<vmem_shared>> -> memref<10240x128xf32, #tpu.memory_space<vmem_shared>>
        tpu.enqueue_indirect_dma source(%arg8 : memref<128x128xf32, #tpu.memory_space<vmem>>) target(%dma_start3A_39 : memref<10240x128xf32, #tpu.memory_space<vmem_shared>>) offsets(%dma_start3A_36 : memref<128xi32, #tpu.memory_space<vmem>>) semaphore(%run_scoped3A : memref<!tpu.dma_semaphore, #tpu.memory_space<semaphore_mem>>) {add = true}
        %dma_wait3A_40 = arith.constant 0 : i32
        %dma_wait3A_41 = tpu.memref_slice %arg7[%scan3A_23, %dma_wait3A_40] : memref<79x128xi32, #tpu.memory_space<vmem>> -> memref<1x128xi32, #tpu.memory_space<vmem>>
        %dma_wait3A_42 = tpu.memref_squeeze %dma_wait3A_41 : memref<1x128xi32, #tpu.memory_space<vmem>> -> memref<128xi32, #tpu.memory_space<vmem>>
        %dma_wait3A_43 = arith.constant 0 : i32
        %dma_wait3A_44 = arith.constant 0 : i32
        %dma_wait3A_45 = tpu.memref_slice %arg9[%dma_wait3A_43, %dma_wait3A_44] : memref<10240x128xf32, #tpu.memory_space<vmem_shared>> -> memref<10240x128xf32, #tpu.memory_space<vmem_shared>>
        tpu.wait_indirect_dma semaphore(%run_scoped3A : memref<!tpu.dma_semaphore, #tpu.memory_space<semaphore_mem>>) src(%arg8 : memref<128x128xf32, #tpu.memory_space<vmem>>) dst(%dma_wait3A_45 : memref<10240x128xf32, #tpu.memory_space<vmem_shared>>)
        tpu.yield
      }) : () -> ()
    }
    %scan3A_21 = arith.constant 79 : i32
    %barrier3A_22 = arith.constant 0 : index
    tpu.barrier barrier_id(%barrier3A_22)
    "tpu.region"() ({
      %run_scoped3A = tpu.sem_alloc : memref<!tpu.dma_semaphore, #tpu.memory_space<semaphore_mem>>
      %dma_start3A = arith.constant 0 : i32
      %dma_start3A_23 = tpu.memref_slice %arg5[%arg0, %mul3A_6, %dma_start3A] : memref<2x10240x128xf32, #tpu.memory_space<hbm>> -> memref<1x640x128xf32, #tpu.memory_space<hbm>>
      %dma_start3A_24 = tpu.memref_squeeze %dma_start3A_23 : memref<1x640x128xf32, #tpu.memory_space<hbm>> -> memref<640x128xf32, #tpu.memory_space<hbm>>
      %dma_start3A_25 = arith.constant 0 : i32
      %dma_start3A_26 = tpu.memref_slice %arg9[%mul3A_6, %dma_start3A_25] : memref<10240x128xf32, #tpu.memory_space<vmem_shared>> -> memref<640x128xf32, #tpu.memory_space<vmem_shared>>
      tpu.enqueue_dma source(%dma_start3A_26 : memref<640x128xf32, #tpu.memory_space<vmem_shared>>) target(%dma_start3A_24 : memref<640x128xf32, #tpu.memory_space<hbm>>) target_semaphore(%run_scoped3A : memref<!tpu.dma_semaphore, #tpu.memory_space<semaphore_mem>>)
      %dma_wait3A = arith.constant 0 : i32
      %dma_wait3A_27 = tpu.memref_slice %arg5[%arg0, %mul3A_6, %dma_wait3A] : memref<2x10240x128xf32, #tpu.memory_space<hbm>> -> memref<1x640x128xf32, #tpu.memory_space<hbm>>
      %dma_wait3A_28 = tpu.memref_squeeze %dma_wait3A_27 : memref<1x640x128xf32, #tpu.memory_space<hbm>> -> memref<640x128xf32, #tpu.memory_space<hbm>>
      %dma_wait3A_29 = arith.constant 0 : i32
      %dma_wait3A_30 = tpu.memref_slice %arg9[%mul3A_6, %dma_wait3A_29] : memref<10240x128xf32, #tpu.memory_space<vmem_shared>> -> memref<640x128xf32, #tpu.memory_space<vmem_shared>>
      tpu.wait_dma2 semaphore(%run_scoped3A : memref<!tpu.dma_semaphore, #tpu.memory_space<semaphore_mem>>) src(%dma_wait3A_30 : memref<640x128xf32, #tpu.memory_space<vmem_shared>>) dst(%dma_wait3A_28 : memref<640x128xf32, #tpu.memory_space<hbm>>)
      tpu.yield
    }) : () -> ()
    return
  }
}

#map = affine_map<(d0, d1) -> (0, 0, 0)>
#map1 = affine_map<(d0, d1) -> (0, 0)>
module attributes {stable_mosaic.version = 14 : i64} {
  func.func @deg(%arg0: i32, %arg1: i32, %arg2: memref<32x79x128xi32, #tpu.memory_space<hbm>>, %arg3: memref<32x10240xf32, #tpu.memory_space<hbm>>, %arg4: memref<79x128xi32, #tpu.memory_space<vmem>>, %arg5: memref<10240xf32, #tpu.memory_space<vmem>>) attributes {dimension_semantics = [#tpu.dimension_semantics<core_parallel>, #tpu.dimension_semantics<subcore_parallel>], iteration_bounds = array<i64: 2, 16>, scalar_prefetch = 0 : i64, scratch_operands = 2 : i64, tpu.core_type = #tpu.core_type<sc_vector_subcore>, window_params = [{transform_indices = #map}, {transform_indices = #map1}]} {
    %mul3A = arith.constant 2 : i32
    %mul3A_0 = arith.muli %arg1, %mul3A : i32
    %add3A = arith.addi %mul3A_0, %arg0 : i32
    %scan3A = arith.constant 0 : i32
    %scan3A_1 = arith.constant 640 : i32
    %scan3A_2 = arith.addi %scan3A, %scan3A_1 : i32
    %scan3A_3 = arith.constant 1 : i32
    scf.for %scan3A_11 = %scan3A to %scan3A_2 step %scan3A_3  : i32 {
      %broadcast_in_dim3A_12 = arith.constant 0.000000e+00 : f32
      %broadcast_in_dim3A_13 = vector.broadcast %broadcast_in_dim3A_12 : f32 to vector<16xf32>
      %mul3A_14 = arith.constant 16 : i32
      %mul3A_15 = arith.muli %scan3A_11, %mul3A_14 : i32
      %swap3A = arith.index_cast %mul3A_15 : i32 to index
      %swap3A_16 = tpu.vector_load %arg5[%swap3A] {strides = array<i32>} : memref<10240xf32, #tpu.memory_space<vmem>>, vector<16xf32>,
      tpu.vector_store %arg5[%swap3A], %broadcast_in_dim3A_13 {strides = array<i32>} : memref<10240xf32, #tpu.memory_space<vmem>>, vector<16xf32>,
    }
    %scan3A_4 = arith.constant 640 : i32
    "tpu.region"() ({
      %run_scoped3A = tpu.sem_alloc : memref<!tpu.dma_semaphore, #tpu.memory_space<semaphore_mem>>
      %dma_start3A = arith.constant 0 : i32
      %dma_start3A_11 = arith.constant 0 : i32
      %dma_start3A_12 = tpu.memref_slice %arg2[%add3A, %dma_start3A, %dma_start3A_11] : memref<32x79x128xi32, #tpu.memory_space<hbm>> -> memref<1x79x128xi32, #tpu.memory_space<hbm>>
      %dma_start3A_13 = tpu.memref_squeeze %dma_start3A_12 : memref<1x79x128xi32, #tpu.memory_space<hbm>> -> memref<79x128xi32, #tpu.memory_space<hbm>>
      %dma_start3A_14 = arith.constant 0 : i32
      %dma_start3A_15 = arith.constant 0 : i32
      %dma_start3A_16 = tpu.memref_slice %arg2[%add3A, %dma_start3A_14, %dma_start3A_15] : memref<32x79x128xi32, #tpu.memory_space<hbm>> -> memref<1x79x128xi32, #tpu.memory_space<hbm>>
      %dma_start3A_17 = tpu.memref_squeeze %dma_start3A_16 : memref<1x79x128xi32, #tpu.memory_space<hbm>> -> memref<79x128xi32, #tpu.memory_space<hbm>>
      tpu.enqueue_dma source(%dma_start3A_17 : memref<79x128xi32, #tpu.memory_space<hbm>>) target(%arg4 : memref<79x128xi32, #tpu.memory_space<vmem>>) target_semaphore(%run_scoped3A : memref<!tpu.dma_semaphore, #tpu.memory_space<semaphore_mem>>)
      %dma_wait3A = arith.constant 0 : i32
      %dma_wait3A_18 = arith.constant 0 : i32
      %dma_wait3A_19 = tpu.memref_slice %arg2[%add3A, %dma_wait3A, %dma_wait3A_18] : memref<32x79x128xi32, #tpu.memory_space<hbm>> -> memref<1x79x128xi32, #tpu.memory_space<hbm>>
      %dma_wait3A_20 = tpu.memref_squeeze %dma_wait3A_19 : memref<1x79x128xi32, #tpu.memory_space<hbm>> -> memref<79x128xi32, #tpu.memory_space<hbm>>
      %dma_wait3A_21 = arith.constant 0 : i32
      %dma_wait3A_22 = arith.constant 0 : i32
      %dma_wait3A_23 = tpu.memref_slice %arg2[%add3A, %dma_wait3A_21, %dma_wait3A_22] : memref<32x79x128xi32, #tpu.memory_space<hbm>> -> memref<1x79x128xi32, #tpu.memory_space<hbm>>
      %dma_wait3A_24 = tpu.memref_squeeze %dma_wait3A_23 : memref<1x79x128xi32, #tpu.memory_space<hbm>> -> memref<79x128xi32, #tpu.memory_space<hbm>>
      tpu.wait_dma2 semaphore(%run_scoped3A : memref<!tpu.dma_semaphore, #tpu.memory_space<semaphore_mem>>) src(%dma_wait3A_24 : memref<79x128xi32, #tpu.memory_space<hbm>>) dst(%arg4 : memref<79x128xi32, #tpu.memory_space<vmem>>)
      tpu.yield
    }) : () -> ()
    %broadcast_in_dim3A = arith.constant 1.000000e+00 : f32
    %broadcast_in_dim3A_5 = vector.broadcast %broadcast_in_dim3A : f32 to vector<16xf32>
    %scan3A_6 = arith.constant 0 : i32
    %scan3A_7 = arith.constant 79 : i32
    %scan3A_8 = arith.addi %scan3A_6, %scan3A_7 : i32
    %scan3A_9 = arith.constant 1 : i32
    scf.for %scan3A_11 = %scan3A_6 to %scan3A_8 step %scan3A_9  : i32 {
      %get3A = arith.index_cast %scan3A_11 : i32 to index
      %get3A_12 = arith.constant 0 : index
      %get3A_13 = tpu.vector_load %arg4[%get3A, %get3A_12] {strides = array<i32>} : memref<79x128xi32, #tpu.memory_space<vmem>>, vector<16xi32>,
      tpu.vector_store_idx %arg5[%get3A_13], %broadcast_in_dim3A_5 {add = true} : memref<10240xf32, #tpu.memory_space<vmem>>[vector<16xi32>], vector<16xf32>,
      %get3A_14 = arith.index_cast %scan3A_11 : i32 to index
      %get3A_15 = arith.constant 16 : index
      %get3A_16 = tpu.vector_load %arg4[%get3A_14, %get3A_15] {strides = array<i32>} : memref<79x128xi32, #tpu.memory_space<vmem>>, vector<16xi32>,
      tpu.vector_store_idx %arg5[%get3A_16], %broadcast_in_dim3A_5 {add = true} : memref<10240xf32, #tpu.memory_space<vmem>>[vector<16xi32>], vector<16xf32>,
      %get3A_17 = arith.index_cast %scan3A_11 : i32 to index
      %get3A_18 = arith.constant 32 : index
      %get3A_19 = tpu.vector_load %arg4[%get3A_17, %get3A_18] {strides = array<i32>} : memref<79x128xi32, #tpu.memory_space<vmem>>, vector<16xi32>,
      tpu.vector_store_idx %arg5[%get3A_19], %broadcast_in_dim3A_5 {add = true} : memref<10240xf32, #tpu.memory_space<vmem>>[vector<16xi32>], vector<16xf32>,
      %get3A_20 = arith.index_cast %scan3A_11 : i32 to index
      %get3A_21 = arith.constant 48 : index
      %get3A_22 = tpu.vector_load %arg4[%get3A_20, %get3A_21] {strides = array<i32>} : memref<79x128xi32, #tpu.memory_space<vmem>>, vector<16xi32>,
      tpu.vector_store_idx %arg5[%get3A_22], %broadcast_in_dim3A_5 {add = true} : memref<10240xf32, #tpu.memory_space<vmem>>[vector<16xi32>], vector<16xf32>,
      %get3A_23 = arith.index_cast %scan3A_11 : i32 to index
      %get3A_24 = arith.constant 64 : index
      %get3A_25 = tpu.vector_load %arg4[%get3A_23, %get3A_24] {strides = array<i32>} : memref<79x128xi32, #tpu.memory_space<vmem>>, vector<16xi32>,
      tpu.vector_store_idx %arg5[%get3A_25], %broadcast_in_dim3A_5 {add = true} : memref<10240xf32, #tpu.memory_space<vmem>>[vector<16xi32>], vector<16xf32>,
      %get3A_26 = arith.index_cast %scan3A_11 : i32 to index
      %get3A_27 = arith.constant 80 : index
      %get3A_28 = tpu.vector_load %arg4[%get3A_26, %get3A_27] {strides = array<i32>} : memref<79x128xi32, #tpu.memory_space<vmem>>, vector<16xi32>,
      tpu.vector_store_idx %arg5[%get3A_28], %broadcast_in_dim3A_5 {add = true} : memref<10240xf32, #tpu.memory_space<vmem>>[vector<16xi32>], vector<16xf32>,
      %get3A_29 = arith.index_cast %scan3A_11 : i32 to index
      %get3A_30 = arith.constant 96 : index
      %get3A_31 = tpu.vector_load %arg4[%get3A_29, %get3A_30] {strides = array<i32>} : memref<79x128xi32, #tpu.memory_space<vmem>>, vector<16xi32>,
      tpu.vector_store_idx %arg5[%get3A_31], %broadcast_in_dim3A_5 {add = true} : memref<10240xf32, #tpu.memory_space<vmem>>[vector<16xi32>], vector<16xf32>,
      %get3A_32 = arith.index_cast %scan3A_11 : i32 to index
      %get3A_33 = arith.constant 112 : index
      %get3A_34 = tpu.vector_load %arg4[%get3A_32, %get3A_33] {strides = array<i32>} : memref<79x128xi32, #tpu.memory_space<vmem>>, vector<16xi32>,
      tpu.vector_store_idx %arg5[%get3A_34], %broadcast_in_dim3A_5 {add = true} : memref<10240xf32, #tpu.memory_space<vmem>>[vector<16xi32>], vector<16xf32>,
    }
    %scan3A_10 = arith.constant 79 : i32
    "tpu.region"() ({
      %run_scoped3A = tpu.sem_alloc : memref<!tpu.dma_semaphore, #tpu.memory_space<semaphore_mem>>
      %dma_start3A = arith.constant 0 : i32
      %dma_start3A_11 = tpu.memref_slice %arg3[%add3A, %dma_start3A] : memref<32x10240xf32, #tpu.memory_space<hbm>> -> memref<1x10240xf32, #tpu.memory_space<hbm>>
      %dma_start3A_12 = tpu.memref_squeeze %dma_start3A_11 : memref<1x10240xf32, #tpu.memory_space<hbm>> -> memref<10240xf32, #tpu.memory_space<hbm>>
      %dma_start3A_13 = arith.constant 0 : i32
      %dma_start3A_14 = tpu.memref_slice %arg3[%add3A, %dma_start3A_13] : memref<32x10240xf32, #tpu.memory_space<hbm>> -> memref<1x10240xf32, #tpu.memory_space<hbm>>
      %dma_start3A_15 = tpu.memref_squeeze %dma_start3A_14 : memref<1x10240xf32, #tpu.memory_space<hbm>> -> memref<10240xf32, #tpu.memory_space<hbm>>
      tpu.enqueue_dma source(%arg5 : memref<10240xf32, #tpu.memory_space<vmem>>) target(%dma_start3A_15 : memref<10240xf32, #tpu.memory_space<hbm>>) target_semaphore(%run_scoped3A : memref<!tpu.dma_semaphore, #tpu.memory_space<semaphore_mem>>)
      %dma_wait3A = arith.constant 0 : i32
      %dma_wait3A_16 = tpu.memref_slice %arg3[%add3A, %dma_wait3A] : memref<32x10240xf32, #tpu.memory_space<hbm>> -> memref<1x10240xf32, #tpu.memory_space<hbm>>
      %dma_wait3A_17 = tpu.memref_squeeze %dma_wait3A_16 : memref<1x10240xf32, #tpu.memory_space<hbm>> -> memref<10240xf32, #tpu.memory_space<hbm>>
      %dma_wait3A_18 = arith.constant 0 : i32
      %dma_wait3A_19 = tpu.memref_slice %arg3[%add3A, %dma_wait3A_18] : memref<32x10240xf32, #tpu.memory_space<hbm>> -> memref<1x10240xf32, #tpu.memory_space<hbm>>
      %dma_wait3A_20 = tpu.memref_squeeze %dma_wait3A_19 : memref<1x10240xf32, #tpu.memory_space<hbm>> -> memref<10240xf32, #tpu.memory_space<hbm>>
      tpu.wait_dma2 semaphore(%run_scoped3A : memref<!tpu.dma_semaphore, #tpu.memory_space<semaphore_mem>>) src(%arg5 : memref<10240xf32, #tpu.memory_space<vmem>>) dst(%dma_wait3A_20 : memref<10240xf32, #tpu.memory_space<hbm>>)
      tpu.yield
    }) : () -> ()
    return
  }
}

#map = affine_map<(d0, d1) -> (0, 0, 0)>
#map1 = affine_map<(d0, d1) -> (0, 0)>
module attributes {stable_mosaic.version = 14 : i64} {
  func.func @agg(%arg0: i32, %arg1: i32, %arg2: memref<32x79x128xi32, #tpu.memory_space<hbm>>, %arg3: memref<32x79x128xi32, #tpu.memory_space<hbm>>, %arg4: memref<10240x128xf32, #tpu.memory_space<hbm>>, %arg5: memref<2x10240x128xf32, #tpu.memory_space<hbm>>, %arg6: memref<79x128xi32, #tpu.memory_space<vmem>>, %arg7: memref<79x128xi32, #tpu.memory_space<vmem>>, %arg8: memref<128x128xf32, #tpu.memory_space<vmem>>, %arg9: memref<10240x128xf32, #tpu.memory_space<vmem_shared>>, %arg10: memref<!tpu.dma_semaphore, #tpu.memory_space<semaphore_mem>>) attributes {dimension_semantics = [#tpu.dimension_semantics<core_parallel>, #tpu.dimension_semantics<subcore_parallel>], iteration_bounds = array<i64: 2, 16>, scalar_prefetch = 0 : i64, scratch_operands = 5 : i64, tpu.core_type = #tpu.core_type<sc_vector_subcore>, window_params = [{transform_indices = #map}, {transform_indices = #map}, {transform_indices = #map1}, {transform_indices = #map}]} {
    %mul3A = arith.constant 2 : i32
    %mul3A_0 = arith.muli %arg1, %mul3A : i32
    %add3A = arith.addi %mul3A_0, %arg0 : i32
    %scan3A = arith.constant 0 : i32
    %scan3A_1 = arith.constant 128 : i32
    %scan3A_2 = arith.addi %scan3A, %scan3A_1 : i32
    %scan3A_3 = arith.constant 1 : i32
    scf.for %scan3A_23 = %scan3A to %scan3A_2 step %scan3A_3  : i32 {
      %broadcast_in_dim3A = arith.constant 0.000000e+00 : f32
      %broadcast_in_dim3A_24 = vector.broadcast %broadcast_in_dim3A : f32 to vector<16xf32>
      %swap3A = arith.index_cast %scan3A_23 : i32 to index
      %swap3A_25 = arith.constant 0 : index
      %swap3A_26 = tpu.vector_load %arg8[%swap3A, %swap3A_25] {strides = array<i32>} : memref<128x128xf32, #tpu.memory_space<vmem>>, vector<1x16xf32>,
      %swap3A_27 = vector.shape_cast %swap3A_26 : vector<1x16xf32> to vector<16xf32>
      %swap3A_28 = vector.shape_cast %broadcast_in_dim3A_24 : vector<16xf32> to vector<1x16xf32>
      tpu.vector_store %arg8[%swap3A, %swap3A_25], %swap3A_28 {strides = array<i32>} : memref<128x128xf32, #tpu.memory_space<vmem>>, vector<1x16xf32>,
      %broadcast_in_dim3A_29 = arith.constant 0.000000e+00 : f32
      %broadcast_in_dim3A_30 = vector.broadcast %broadcast_in_dim3A_29 : f32 to vector<16xf32>
      %swap3A_31 = arith.index_cast %scan3A_23 : i32 to index
      %swap3A_32 = arith.constant 16 : index
      %swap3A_33 = tpu.vector_load %arg8[%swap3A_31, %swap3A_32] {strides = array<i32>} : memref<128x128xf32, #tpu.memory_space<vmem>>, vector<1x16xf32>,
      %swap3A_34 = vector.shape_cast %swap3A_33 : vector<1x16xf32> to vector<16xf32>
      %swap3A_35 = vector.shape_cast %broadcast_in_dim3A_30 : vector<16xf32> to vector<1x16xf32>
      tpu.vector_store %arg8[%swap3A_31, %swap3A_32], %swap3A_35 {strides = array<i32>} : memref<128x128xf32, #tpu.memory_space<vmem>>, vector<1x16xf32>,
      %broadcast_in_dim3A_36 = arith.constant 0.000000e+00 : f32
      %broadcast_in_dim3A_37 = vector.broadcast %broadcast_in_dim3A_36 : f32 to vector<16xf32>
      %swap3A_38 = arith.index_cast %scan3A_23 : i32 to index
      %swap3A_39 = arith.constant 32 : index
      %swap3A_40 = tpu.vector_load %arg8[%swap3A_38, %swap3A_39] {strides = array<i32>} : memref<128x128xf32, #tpu.memory_space<vmem>>, vector<1x16xf32>,
      %swap3A_41 = vector.shape_cast %swap3A_40 : vector<1x16xf32> to vector<16xf32>
      %swap3A_42 = vector.shape_cast %broadcast_in_dim3A_37 : vector<16xf32> to vector<1x16xf32>
      tpu.vector_store %arg8[%swap3A_38, %swap3A_39], %swap3A_42 {strides = array<i32>} : memref<128x128xf32, #tpu.memory_space<vmem>>, vector<1x16xf32>,
      %broadcast_in_dim3A_43 = arith.constant 0.000000e+00 : f32
      %broadcast_in_dim3A_44 = vector.broadcast %broadcast_in_dim3A_43 : f32 to vector<16xf32>
      %swap3A_45 = arith.index_cast %scan3A_23 : i32 to index
      %swap3A_46 = arith.constant 48 : index
      %swap3A_47 = tpu.vector_load %arg8[%swap3A_45, %swap3A_46] {strides = array<i32>} : memref<128x128xf32, #tpu.memory_space<vmem>>, vector<1x16xf32>,
      %swap3A_48 = vector.shape_cast %swap3A_47 : vector<1x16xf32> to vector<16xf32>
      %swap3A_49 = vector.shape_cast %broadcast_in_dim3A_44 : vector<16xf32> to vector<1x16xf32>
      tpu.vector_store %arg8[%swap3A_45, %swap3A_46], %swap3A_49 {strides = array<i32>} : memref<128x128xf32, #tpu.memory_space<vmem>>, vector<1x16xf32>,
      %broadcast_in_dim3A_50 = arith.constant 0.000000e+00 : f32
      %broadcast_in_dim3A_51 = vector.broadcast %broadcast_in_dim3A_50 : f32 to vector<16xf32>
      %swap3A_52 = arith.index_cast %scan3A_23 : i32 to index
      %swap3A_53 = arith.constant 64 : index
      %swap3A_54 = tpu.vector_load %arg8[%swap3A_52, %swap3A_53] {strides = array<i32>} : memref<128x128xf32, #tpu.memory_space<vmem>>, vector<1x16xf32>,
      %swap3A_55 = vector.shape_cast %swap3A_54 : vector<1x16xf32> to vector<16xf32>
      %swap3A_56 = vector.shape_cast %broadcast_in_dim3A_51 : vector<16xf32> to vector<1x16xf32>
      tpu.vector_store %arg8[%swap3A_52, %swap3A_53], %swap3A_56 {strides = array<i32>} : memref<128x128xf32, #tpu.memory_space<vmem>>, vector<1x16xf32>,
      %broadcast_in_dim3A_57 = arith.constant 0.000000e+00 : f32
      %broadcast_in_dim3A_58 = vector.broadcast %broadcast_in_dim3A_57 : f32 to vector<16xf32>
      %swap3A_59 = arith.index_cast %scan3A_23 : i32 to index
      %swap3A_60 = arith.constant 80 : index
      %swap3A_61 = tpu.vector_load %arg8[%swap3A_59, %swap3A_60] {strides = array<i32>} : memref<128x128xf32, #tpu.memory_space<vmem>>, vector<1x16xf32>,
      %swap3A_62 = vector.shape_cast %swap3A_61 : vector<1x16xf32> to vector<16xf32>
      %swap3A_63 = vector.shape_cast %broadcast_in_dim3A_58 : vector<16xf32> to vector<1x16xf32>
      tpu.vector_store %arg8[%swap3A_59, %swap3A_60], %swap3A_63 {strides = array<i32>} : memref<128x128xf32, #tpu.memory_space<vmem>>, vector<1x16xf32>,
      %broadcast_in_dim3A_64 = arith.constant 0.000000e+00 : f32
      %broadcast_in_dim3A_65 = vector.broadcast %broadcast_in_dim3A_64 : f32 to vector<16xf32>
      %swap3A_66 = arith.index_cast %scan3A_23 : i32 to index
      %swap3A_67 = arith.constant 96 : index
      %swap3A_68 = tpu.vector_load %arg8[%swap3A_66, %swap3A_67] {strides = array<i32>} : memref<128x128xf32, #tpu.memory_space<vmem>>, vector<1x16xf32>,
      %swap3A_69 = vector.shape_cast %swap3A_68 : vector<1x16xf32> to vector<16xf32>
      %swap3A_70 = vector.shape_cast %broadcast_in_dim3A_65 : vector<16xf32> to vector<1x16xf32>
      tpu.vector_store %arg8[%swap3A_66, %swap3A_67], %swap3A_70 {strides = array<i32>} : memref<128x128xf32, #tpu.memory_space<vmem>>, vector<1x16xf32>,
      %broadcast_in_dim3A_71 = arith.constant 0.000000e+00 : f32
      %broadcast_in_dim3A_72 = vector.broadcast %broadcast_in_dim3A_71 : f32 to vector<16xf32>
      %swap3A_73 = arith.index_cast %scan3A_23 : i32 to index
      %swap3A_74 = arith.constant 112 : index
      %swap3A_75 = tpu.vector_load %arg8[%swap3A_73, %swap3A_74] {strides = array<i32>} : memref<128x128xf32, #tpu.memory_space<vmem>>, vector<1x16xf32>,
      %swap3A_76 = vector.shape_cast %swap3A_75 : vector<1x16xf32> to vector<16xf32>
      %swap3A_77 = vector.shape_cast %broadcast_in_dim3A_72 : vector<16xf32> to vector<1x16xf32>
      tpu.vector_store %arg8[%swap3A_73, %swap3A_74], %swap3A_77 {strides = array<i32>} : memref<128x128xf32, #tpu.memory_space<vmem>>, vector<1x16xf32>,
    }
    %scan3A_4 = arith.constant 128 : i32
    %mul3A_5 = arith.constant 640 : i32
    %mul3A_6 = arith.muli %arg1, %mul3A_5 : i32
    %add3A_7 = arith.constant 0 : i32
    %add3A_8 = arith.addi %mul3A_6, %add3A_7 : i32
    "tpu.region"() ({
      %run_scoped3A = tpu.sem_alloc : memref<!tpu.dma_semaphore, #tpu.memory_space<semaphore_mem>>
      %dma_start3A = arith.constant 0 : i32
      %dma_start3A_23 = tpu.memref_slice %arg9[%add3A_8, %dma_start3A] : memref<10240x128xf32, #tpu.memory_space<vmem_shared>> -> memref<128x128xf32, #tpu.memory_space<vmem_shared>>
      %dma_start3A_24 = arith.constant 0 : i32
      %dma_start3A_25 = tpu.memref_slice %arg9[%add3A_8, %dma_start3A_24] : memref<10240x128xf32, #tpu.memory_space<vmem_shared>> -> memref<128x128xf32, #tpu.memory_space<vmem_shared>>
      tpu.enqueue_dma source(%arg8 : memref<128x128xf32, #tpu.memory_space<vmem>>) target(%dma_start3A_25 : memref<128x128xf32, #tpu.memory_space<vmem_shared>>) target_semaphore(%run_scoped3A : memref<!tpu.dma_semaphore, #tpu.memory_space<semaphore_mem>>)
      %dma_wait3A = arith.constant 0 : i32
      %dma_wait3A_26 = tpu.memref_slice %arg9[%add3A_8, %dma_wait3A] : memref<10240x128xf32, #tpu.memory_space<vmem_shared>> -> memref<128x128xf32, #tpu.memory_space<vmem_shared>>
      %dma_wait3A_27 = arith.constant 0 : i32
      %dma_wait3A_28 = tpu.memref_slice %arg9[%add3A_8, %dma_wait3A_27] : memref<10240x128xf32, #tpu.memory_space<vmem_shared>> -> memref<128x128xf32, #tpu.memory_space<vmem_shared>>
      tpu.wait_dma2 semaphore(%run_scoped3A : memref<!tpu.dma_semaphore, #tpu.memory_space<semaphore_mem>>) src(%arg8 : memref<128x128xf32, #tpu.memory_space<vmem>>) dst(%dma_wait3A_28 : memref<128x128xf32, #tpu.memory_space<vmem_shared>>)
      tpu.yield
    }) : () -> ()
    %add3A_9 = arith.constant 128 : i32
    %add3A_10 = arith.addi %mul3A_6, %add3A_9 : i32
    "tpu.region"() ({
      %run_scoped3A = tpu.sem_alloc : memref<!tpu.dma_semaphore, #tpu.memory_space<semaphore_mem>>
      %dma_start3A = arith.constant 0 : i32
      %dma_start3A_23 = tpu.memref_slice %arg9[%add3A_10, %dma_start3A] : memref<10240x128xf32, #tpu.memory_space<vmem_shared>> -> memref<128x128xf32, #tpu.memory_space<vmem_shared>>
      %dma_start3A_24 = arith.constant 0 : i32
      %dma_start3A_25 = tpu.memref_slice %arg9[%add3A_10, %dma_start3A_24] : memref<10240x128xf32, #tpu.memory_space<vmem_shared>> -> memref<128x128xf32, #tpu.memory_space<vmem_shared>>
      tpu.enqueue_dma source(%arg8 : memref<128x128xf32, #tpu.memory_space<vmem>>) target(%dma_start3A_25 : memref<128x128xf32, #tpu.memory_space<vmem_shared>>) target_semaphore(%run_scoped3A : memref<!tpu.dma_semaphore, #tpu.memory_space<semaphore_mem>>)
      %dma_wait3A = arith.constant 0 : i32
      %dma_wait3A_26 = tpu.memref_slice %arg9[%add3A_10, %dma_wait3A] : memref<10240x128xf32, #tpu.memory_space<vmem_shared>> -> memref<128x128xf32, #tpu.memory_space<vmem_shared>>
      %dma_wait3A_27 = arith.constant 0 : i32
      %dma_wait3A_28 = tpu.memref_slice %arg9[%add3A_10, %dma_wait3A_27] : memref<10240x128xf32, #tpu.memory_space<vmem_shared>> -> memref<128x128xf32, #tpu.memory_space<vmem_shared>>
      tpu.wait_dma2 semaphore(%run_scoped3A : memref<!tpu.dma_semaphore, #tpu.memory_space<semaphore_mem>>) src(%arg8 : memref<128x128xf32, #tpu.memory_space<vmem>>) dst(%dma_wait3A_28 : memref<128x128xf32, #tpu.memory_space<vmem_shared>>)
      tpu.yield
    }) : () -> ()
    %add3A_11 = arith.constant 256 : i32
    %add3A_12 = arith.addi %mul3A_6, %add3A_11 : i32
    "tpu.region"() ({
      %run_scoped3A = tpu.sem_alloc : memref<!tpu.dma_semaphore, #tpu.memory_space<semaphore_mem>>
      %dma_start3A = arith.constant 0 : i32
      %dma_start3A_23 = tpu.memref_slice %arg9[%add3A_12, %dma_start3A] : memref<10240x128xf32, #tpu.memory_space<vmem_shared>> -> memref<128x128xf32, #tpu.memory_space<vmem_shared>>
      %dma_start3A_24 = arith.constant 0 : i32
      %dma_start3A_25 = tpu.memref_slice %arg9[%add3A_12, %dma_start3A_24] : memref<10240x128xf32, #tpu.memory_space<vmem_shared>> -> memref<128x128xf32, #tpu.memory_space<vmem_shared>>
      tpu.enqueue_dma source(%arg8 : memref<128x128xf32, #tpu.memory_space<vmem>>) target(%dma_start3A_25 : memref<128x128xf32, #tpu.memory_space<vmem_shared>>) target_semaphore(%run_scoped3A : memref<!tpu.dma_semaphore, #tpu.memory_space<semaphore_mem>>)
      %dma_wait3A = arith.constant 0 : i32
      %dma_wait3A_26 = tpu.memref_slice %arg9[%add3A_12, %dma_wait3A] : memref<10240x128xf32, #tpu.memory_space<vmem_shared>> -> memref<128x128xf32, #tpu.memory_space<vmem_shared>>
      %dma_wait3A_27 = arith.constant 0 : i32
      %dma_wait3A_28 = tpu.memref_slice %arg9[%add3A_12, %dma_wait3A_27] : memref<10240x128xf32, #tpu.memory_space<vmem_shared>> -> memref<128x128xf32, #tpu.memory_space<vmem_shared>>
      tpu.wait_dma2 semaphore(%run_scoped3A : memref<!tpu.dma_semaphore, #tpu.memory_space<semaphore_mem>>) src(%arg8 : memref<128x128xf32, #tpu.memory_space<vmem>>) dst(%dma_wait3A_28 : memref<128x128xf32, #tpu.memory_space<vmem_shared>>)
      tpu.yield
    }) : () -> ()
    %add3A_13 = arith.constant 384 : i32
    %add3A_14 = arith.addi %mul3A_6, %add3A_13 : i32
    "tpu.region"() ({
      %run_scoped3A = tpu.sem_alloc : memref<!tpu.dma_semaphore, #tpu.memory_space<semaphore_mem>>
      %dma_start3A = arith.constant 0 : i32
      %dma_start3A_23 = tpu.memref_slice %arg9[%add3A_14, %dma_start3A] : memref<10240x128xf32, #tpu.memory_space<vmem_shared>> -> memref<128x128xf32, #tpu.memory_space<vmem_shared>>
      %dma_start3A_24 = arith.constant 0 : i32
      %dma_start3A_25 = tpu.memref_slice %arg9[%add3A_14, %dma_start3A_24] : memref<10240x128xf32, #tpu.memory_space<vmem_shared>> -> memref<128x128xf32, #tpu.memory_space<vmem_shared>>
      tpu.enqueue_dma source(%arg8 : memref<128x128xf32, #tpu.memory_space<vmem>>) target(%dma_start3A_25 : memref<128x128xf32, #tpu.memory_space<vmem_shared>>) target_semaphore(%run_scoped3A : memref<!tpu.dma_semaphore, #tpu.memory_space<semaphore_mem>>)
      %dma_wait3A = arith.constant 0 : i32
      %dma_wait3A_26 = tpu.memref_slice %arg9[%add3A_14, %dma_wait3A] : memref<10240x128xf32, #tpu.memory_space<vmem_shared>> -> memref<128x128xf32, #tpu.memory_space<vmem_shared>>
      %dma_wait3A_27 = arith.constant 0 : i32
      %dma_wait3A_28 = tpu.memref_slice %arg9[%add3A_14, %dma_wait3A_27] : memref<10240x128xf32, #tpu.memory_space<vmem_shared>> -> memref<128x128xf32, #tpu.memory_space<vmem_shared>>
      tpu.wait_dma2 semaphore(%run_scoped3A : memref<!tpu.dma_semaphore, #tpu.memory_space<semaphore_mem>>) src(%arg8 : memref<128x128xf32, #tpu.memory_space<vmem>>) dst(%dma_wait3A_28 : memref<128x128xf32, #tpu.memory_space<vmem_shared>>)
      tpu.yield
    }) : () -> ()
    %add3A_15 = arith.constant 512 : i32
    %add3A_16 = arith.addi %mul3A_6, %add3A_15 : i32
    "tpu.region"() ({
      %run_scoped3A = tpu.sem_alloc : memref<!tpu.dma_semaphore, #tpu.memory_space<semaphore_mem>>
      %dma_start3A = arith.constant 0 : i32
      %dma_start3A_23 = tpu.memref_slice %arg9[%add3A_16, %dma_start3A] : memref<10240x128xf32, #tpu.memory_space<vmem_shared>> -> memref<128x128xf32, #tpu.memory_space<vmem_shared>>
      %dma_start3A_24 = arith.constant 0 : i32
      %dma_start3A_25 = tpu.memref_slice %arg9[%add3A_16, %dma_start3A_24] : memref<10240x128xf32, #tpu.memory_space<vmem_shared>> -> memref<128x128xf32, #tpu.memory_space<vmem_shared>>
      tpu.enqueue_dma source(%arg8 : memref<128x128xf32, #tpu.memory_space<vmem>>) target(%dma_start3A_25 : memref<128x128xf32, #tpu.memory_space<vmem_shared>>) target_semaphore(%run_scoped3A : memref<!tpu.dma_semaphore, #tpu.memory_space<semaphore_mem>>)
      %dma_wait3A = arith.constant 0 : i32
      %dma_wait3A_26 = tpu.memref_slice %arg9[%add3A_16, %dma_wait3A] : memref<10240x128xf32, #tpu.memory_space<vmem_shared>> -> memref<128x128xf32, #tpu.memory_space<vmem_shared>>
      %dma_wait3A_27 = arith.constant 0 : i32
      %dma_wait3A_28 = tpu.memref_slice %arg9[%add3A_16, %dma_wait3A_27] : memref<10240x128xf32, #tpu.memory_space<vmem_shared>> -> memref<128x128xf32, #tpu.memory_space<vmem_shared>>
      tpu.wait_dma2 semaphore(%run_scoped3A : memref<!tpu.dma_semaphore, #tpu.memory_space<semaphore_mem>>) src(%arg8 : memref<128x128xf32, #tpu.memory_space<vmem>>) dst(%dma_wait3A_28 : memref<128x128xf32, #tpu.memory_space<vmem_shared>>)
      tpu.yield
    }) : () -> ()
    %barrier3A = arith.constant 0 : index
    tpu.barrier barrier_id(%barrier3A)
    "tpu.region"() ({
      %run_scoped3A = tpu.sem_alloc : memref<!tpu.dma_semaphore, #tpu.memory_space<semaphore_mem>>
      %dma_start3A = arith.constant 0 : i32
      %dma_start3A_23 = arith.constant 0 : i32
      %dma_start3A_24 = tpu.memref_slice %arg2[%add3A, %dma_start3A, %dma_start3A_23] : memref<32x79x128xi32, #tpu.memory_space<hbm>> -> memref<1x79x128xi32, #tpu.memory_space<hbm>>
      %dma_start3A_25 = tpu.memref_squeeze %dma_start3A_24 : memref<1x79x128xi32, #tpu.memory_space<hbm>> -> memref<79x128xi32, #tpu.memory_space<hbm>>
      %dma_start3A_26 = arith.constant 0 : i32
      %dma_start3A_27 = arith.constant 0 : i32
      %dma_start3A_28 = tpu.memref_slice %arg2[%add3A, %dma_start3A_26, %dma_start3A_27] : memref<32x79x128xi32, #tpu.memory_space<hbm>> -> memref<1x79x128xi32, #tpu.memory_space<hbm>>
      %dma_start3A_29 = tpu.memref_squeeze %dma_start3A_28 : memref<1x79x128xi32, #tpu.memory_space<hbm>> -> memref<79x128xi32, #tpu.memory_space<hbm>>
      tpu.enqueue_dma source(%dma_start3A_29 : memref<79x128xi32, #tpu.memory_space<hbm>>) target(%arg6 : memref<79x128xi32, #tpu.memory_space<vmem>>) target_semaphore(%run_scoped3A : memref<!tpu.dma_semaphore, #tpu.memory_space<semaphore_mem>>)
      %dma_wait3A = arith.constant 0 : i32
      %dma_wait3A_30 = arith.constant 0 : i32
      %dma_wait3A_31 = tpu.memref_slice %arg2[%add3A, %dma_wait3A, %dma_wait3A_30] : memref<32x79x128xi32, #tpu.memory_space<hbm>> -> memref<1x79x128xi32, #tpu.memory_space<hbm>>
      %dma_wait3A_32 = tpu.memref_squeeze %dma_wait3A_31 : memref<1x79x128xi32, #tpu.memory_space<hbm>> -> memref<79x128xi32, #tpu.memory_space<hbm>>
      %dma_wait3A_33 = arith.constant 0 : i32
      %dma_wait3A_34 = arith.constant 0 : i32
      %dma_wait3A_35 = tpu.memref_slice %arg2[%add3A, %dma_wait3A_33, %dma_wait3A_34] : memref<32x79x128xi32, #tpu.memory_space<hbm>> -> memref<1x79x128xi32, #tpu.memory_space<hbm>>
      %dma_wait3A_36 = tpu.memref_squeeze %dma_wait3A_35 : memref<1x79x128xi32, #tpu.memory_space<hbm>> -> memref<79x128xi32, #tpu.memory_space<hbm>>
      tpu.wait_dma2 semaphore(%run_scoped3A : memref<!tpu.dma_semaphore, #tpu.memory_space<semaphore_mem>>) src(%dma_wait3A_36 : memref<79x128xi32, #tpu.memory_space<hbm>>) dst(%arg6 : memref<79x128xi32, #tpu.memory_space<vmem>>)
      tpu.yield
    }) : () -> ()
    "tpu.region"() ({
      %run_scoped3A = tpu.sem_alloc : memref<!tpu.dma_semaphore, #tpu.memory_space<semaphore_mem>>
      %dma_start3A = arith.constant 0 : i32
      %dma_start3A_23 = arith.constant 0 : i32
      %dma_start3A_24 = tpu.memref_slice %arg3[%add3A, %dma_start3A, %dma_start3A_23] : memref<32x79x128xi32, #tpu.memory_space<hbm>> -> memref<1x79x128xi32, #tpu.memory_space<hbm>>
      %dma_start3A_25 = tpu.memref_squeeze %dma_start3A_24 : memref<1x79x128xi32, #tpu.memory_space<hbm>> -> memref<79x128xi32, #tpu.memory_space<hbm>>
      %dma_start3A_26 = arith.constant 0 : i32
      %dma_start3A_27 = arith.constant 0 : i32
      %dma_start3A_28 = tpu.memref_slice %arg3[%add3A, %dma_start3A_26, %dma_start3A_27] : memref<32x79x128xi32, #tpu.memory_space<hbm>> -> memref<1x79x128xi32, #tpu.memory_space<hbm>>
      %dma_start3A_29 = tpu.memref_squeeze %dma_start3A_28 : memref<1x79x128xi32, #tpu.memory_space<hbm>> -> memref<79x128xi32, #tpu.memory_space<hbm>>
      tpu.enqueue_dma source(%dma_start3A_29 : memref<79x128xi32, #tpu.memory_space<hbm>>) target(%arg7 : memref<79x128xi32, #tpu.memory_space<vmem>>) target_semaphore(%run_scoped3A : memref<!tpu.dma_semaphore, #tpu.memory_space<semaphore_mem>>)
      %dma_wait3A = arith.constant 0 : i32
      %dma_wait3A_30 = arith.constant 0 : i32
      %dma_wait3A_31 = tpu.memref_slice %arg3[%add3A, %dma_wait3A, %dma_wait3A_30] : memref<32x79x128xi32, #tpu.memory_space<hbm>> -> memref<1x79x128xi32, #tpu.memory_space<hbm>>
      %dma_wait3A_32 = tpu.memref_squeeze %dma_wait3A_31 : memref<1x79x128xi32, #tpu.memory_space<hbm>> -> memref<79x128xi32, #tpu.memory_space<hbm>>
      %dma_wait3A_33 = arith.constant 0 : i32
      %dma_wait3A_34 = arith.constant 0 : i32
      %dma_wait3A_35 = tpu.memref_slice %arg3[%add3A, %dma_wait3A_33, %dma_wait3A_34] : memref<32x79x128xi32, #tpu.memory_space<hbm>> -> memref<1x79x128xi32, #tpu.memory_space<hbm>>
      %dma_wait3A_36 = tpu.memref_squeeze %dma_wait3A_35 : memref<1x79x128xi32, #tpu.memory_space<hbm>> -> memref<79x128xi32, #tpu.memory_space<hbm>>
      tpu.wait_dma2 semaphore(%run_scoped3A : memref<!tpu.dma_semaphore, #tpu.memory_space<semaphore_mem>>) src(%dma_wait3A_36 : memref<79x128xi32, #tpu.memory_space<hbm>>) dst(%arg7 : memref<79x128xi32, #tpu.memory_space<vmem>>)
      tpu.yield
    }) : () -> ()
    %scan3A_17 = arith.constant 0 : i32
    %scan3A_18 = arith.constant 79 : i32
    %scan3A_19 = arith.addi %scan3A_17, %scan3A_18 : i32
    %scan3A_20 = arith.constant 1 : i32
    scf.for %scan3A_23 = %scan3A_17 to %scan3A_19 step %scan3A_20  : i32 {
      %dma_start3A = arith.constant 0 : i32
      %dma_start3A_24 = tpu.memref_slice %arg6[%scan3A_23, %dma_start3A] : memref<79x128xi32, #tpu.memory_space<vmem>> -> memref<1x128xi32, #tpu.memory_space<vmem>>
      %dma_start3A_25 = tpu.memref_squeeze %dma_start3A_24 : memref<1x128xi32, #tpu.memory_space<vmem>> -> memref<128xi32, #tpu.memory_space<vmem>>
      %dma_start3A_26 = arith.constant 0 : i32
      %dma_start3A_27 = arith.constant 0 : i32
      %dma_start3A_28 = tpu.memref_slice %arg4[%dma_start3A_26, %dma_start3A_27] : memref<10240x128xf32, #tpu.memory_space<hbm>> -> memref<10240x128xf32, #tpu.memory_space<hbm>>
      tpu.enqueue_indirect_dma source(%dma_start3A_28 : memref<10240x128xf32, #tpu.memory_space<hbm>>) target(%arg8 : memref<128x128xf32, #tpu.memory_space<vmem>>) offsets(%dma_start3A_25 : memref<128xi32, #tpu.memory_space<vmem>>) semaphore(%arg10 : memref<!tpu.dma_semaphore, #tpu.memory_space<semaphore_mem>>)
      %dma_wait3A = arith.constant 0 : i32
      %dma_wait3A_29 = tpu.memref_slice %arg6[%scan3A_23, %dma_wait3A] : memref<79x128xi32, #tpu.memory_space<vmem>> -> memref<1x128xi32, #tpu.memory_space<vmem>>
      %dma_wait3A_30 = tpu.memref_squeeze %dma_wait3A_29 : memref<1x128xi32, #tpu.memory_space<vmem>> -> memref<128xi32, #tpu.memory_space<vmem>>
      %dma_wait3A_31 = arith.constant 0 : i32
      %dma_wait3A_32 = arith.constant 0 : i32
      %dma_wait3A_33 = tpu.memref_slice %arg4[%dma_wait3A_31, %dma_wait3A_32] : memref<10240x128xf32, #tpu.memory_space<hbm>> -> memref<10240x128xf32, #tpu.memory_space<hbm>>
      tpu.wait_indirect_dma semaphore(%arg10 : memref<!tpu.dma_semaphore, #tpu.memory_space<semaphore_mem>>) src(%dma_wait3A_33 : memref<10240x128xf32, #tpu.memory_space<hbm>>) dst(%arg8 : memref<128x128xf32, #tpu.memory_space<vmem>>)
      "tpu.region"() ({
        %run_scoped3A = tpu.sem_alloc : memref<!tpu.dma_semaphore, #tpu.memory_space<semaphore_mem>>
        %dma_start3A_34 = arith.constant 0 : i32
        %dma_start3A_35 = tpu.memref_slice %arg7[%scan3A_23, %dma_start3A_34] : memref<79x128xi32, #tpu.memory_space<vmem>> -> memref<1x128xi32, #tpu.memory_space<vmem>>
        %dma_start3A_36 = tpu.memref_squeeze %dma_start3A_35 : memref<1x128xi32, #tpu.memory_space<vmem>> -> memref<128xi32, #tpu.memory_space<vmem>>
        %dma_start3A_37 = arith.constant 0 : i32
        %dma_start3A_38 = arith.constant 0 : i32
        %dma_start3A_39 = tpu.memref_slice %arg9[%dma_start3A_37, %dma_start3A_38] : memref<10240x128xf32, #tpu.memory_space<vmem_shared>> -> memref<10240x128xf32, #tpu.memory_space<vmem_shared>>
        tpu.enqueue_indirect_dma source(%arg8 : memref<128x128xf32, #tpu.memory_space<vmem>>) target(%dma_start3A_39 : memref<10240x128xf32, #tpu.memory_space<vmem_shared>>) offsets(%dma_start3A_36 : memref<128xi32, #tpu.memory_space<vmem>>) semaphore(%run_scoped3A : memref<!tpu.dma_semaphore, #tpu.memory_space<semaphore_mem>>) {add = true}
        %dma_wait3A_40 = arith.constant 0 : i32
        %dma_wait3A_41 = tpu.memref_slice %arg7[%scan3A_23, %dma_wait3A_40] : memref<79x128xi32, #tpu.memory_space<vmem>> -> memref<1x128xi32, #tpu.memory_space<vmem>>
        %dma_wait3A_42 = tpu.memref_squeeze %dma_wait3A_41 : memref<1x128xi32, #tpu.memory_space<vmem>> -> memref<128xi32, #tpu.memory_space<vmem>>
        %dma_wait3A_43 = arith.constant 0 : i32
        %dma_wait3A_44 = arith.constant 0 : i32
        %dma_wait3A_45 = tpu.memref_slice %arg9[%dma_wait3A_43, %dma_wait3A_44] : memref<10240x128xf32, #tpu.memory_space<vmem_shared>> -> memref<10240x128xf32, #tpu.memory_space<vmem_shared>>
        tpu.wait_indirect_dma semaphore(%run_scoped3A : memref<!tpu.dma_semaphore, #tpu.memory_space<semaphore_mem>>) src(%arg8 : memref<128x128xf32, #tpu.memory_space<vmem>>) dst(%dma_wait3A_45 : memref<10240x128xf32, #tpu.memory_space<vmem_shared>>)
        tpu.yield
      }) : () -> ()
    }
    %scan3A_21 = arith.constant 79 : i32
    %barrier3A_22 = arith.constant 0 : index
    tpu.barrier barrier_id(%barrier3A_22)
    "tpu.region"() ({
      %run_scoped3A = tpu.sem_alloc : memref<!tpu.dma_semaphore, #tpu.memory_space<semaphore_mem>>
      %dma_start3A = arith.constant 0 : i32
      %dma_start3A_23 = tpu.memref_slice %arg5[%arg0, %mul3A_6, %dma_start3A] : memref<2x10240x128xf32, #tpu.memory_space<hbm>> -> memref<1x640x128xf32, #tpu.memory_space<hbm>>
      %dma_start3A_24 = tpu.memref_squeeze %dma_start3A_23 : memref<1x640x128xf32, #tpu.memory_space<hbm>> -> memref<640x128xf32, #tpu.memory_space<hbm>>
      %dma_start3A_25 = arith.constant 0 : i32
      %dma_start3A_26 = tpu.memref_slice %arg9[%mul3A_6, %dma_start3A_25] : memref<10240x128xf32, #tpu.memory_space<vmem_shared>> -> memref<640x128xf32, #tpu.memory_space<vmem_shared>>
      tpu.enqueue_dma source(%dma_start3A_26 : memref<640x128xf32, #tpu.memory_space<vmem_shared>>) target(%dma_start3A_24 : memref<640x128xf32, #tpu.memory_space<hbm>>) target_semaphore(%run_scoped3A : memref<!tpu.dma_semaphore, #tpu.memory_space<semaphore_mem>>)
      %dma_wait3A = arith.constant 0 : i32
      %dma_wait3A_27 = tpu.memref_slice %arg5[%arg0, %mul3A_6, %dma_wait3A] : memref<2x10240x128xf32, #tpu.memory_space<hbm>> -> memref<1x640x128xf32, #tpu.memory_space<hbm>>
      %dma_wait3A_28 = tpu.memref_squeeze %dma_wait3A_27 : memref<1x640x128xf32, #tpu.memory_space<hbm>> -> memref<640x128xf32, #tpu.memory_space<hbm>>
      %dma_wait3A_29 = arith.constant 0 : i32
      %dma_wait3A_30 = tpu.memref_slice %arg9[%mul3A_6, %dma_wait3A_29] : memref<10240x128xf32, #tpu.memory_space<vmem_shared>> -> memref<640x128xf32, #tpu.memory_space<vmem_shared>>
      tpu.wait_dma2 semaphore(%run_scoped3A : memref<!tpu.dma_semaphore, #tpu.memory_space<semaphore_mem>>) src(%dma_wait3A_30 : memref<640x128xf32, #tpu.memory_space<vmem_shared>>) dst(%dma_wait3A_28 : memref<640x128xf32, #tpu.memory_space<hbm>>)
      tpu.yield
    }) : () -> ()
    return
  }
}

module attributes {stable_mosaic.version = 14 : i64} {
  func.func @_dinv_body(%arg0: memref<32x80x128xf32, #tpu.memory_space<vmem>>, %arg1: memref<80x128xf32, #tpu.memory_space<vmem>>) attributes {dimension_semantics = [], scalar_prefetch = 0 : i64, scratch_operands = 0 : i64, tpu.core_type = #tpu.core_type<tc>} {
    %get3A = arith.constant 0 : index
    %get3A_0 = arith.constant 0 : index
    %get3A_1 = arith.constant 0 : index
    %get3A_2 = vector.load %arg0[%get3A, %get3A_0, %get3A_1] : memref<32x80x128xf32, #tpu.memory_space<vmem>>, vector<32x80x128xf32>
    %reduce_sum3A = arith.constant dense<0.000000e+00> : vector<80x128xf32>
    %reduce_sum3A_3 = vector.multi_reduction <add>, %get3A_2, %reduce_sum3A [0] : vector<32x80x128xf32> to vector<80x128xf32>
    %add3A = arith.constant 1.000000e+00 : f32
    %add3A_4 = vector.broadcast %add3A : f32 to vector<80x128xf32>
    %add3A_5 = arith.addf %reduce_sum3A_3, %add3A_4 : vector<80x128xf32>
    %rsqrt3A = math.rsqrt %add3A_5 : vector<80x128xf32>
    %swap3A = arith.constant 0 : index
    %swap3A_6 = arith.constant 0 : index
    %swap3A_7 = vector.load %arg1[%swap3A, %swap3A_6] : memref<80x128xf32, #tpu.memory_space<vmem>>, vector<80x128xf32>
    tpu.vector_store %arg1[%swap3A, %swap3A_6], %rsqrt3A {strides = array<i32>} : memref<80x128xf32, #tpu.memory_space<vmem>>, vector<80x128xf32>,
    return
  }
}

module attributes {stable_mosaic.version = 14 : i64} {
  func.func @_mm1_body(%arg0: i32, %arg1: memref<1024x128xf32, #tpu.memory_space<vmem>>, %arg2: memref<128x128xf32, #tpu.memory_space<vmem>>, %arg3: memref<1024x1xf32, #tpu.memory_space<vmem>>, %arg4: memref<1024x128xf32, #tpu.memory_space<vmem>>) attributes {dimension_semantics = [#tpu.dimension_semantics<arbitrary>], iteration_bounds = array<i64: 10>, scalar_prefetch = 0 : i64, scratch_operands = 0 : i64, tpu.core_type = #tpu.core_type<tc>, window_params = [{transform_indices = @transform_0, window_bounds = array<i64: 1024, 128>}, {pipeline_mode = #tpu.pipeline_mode<synchronous>, transform_indices = @transform_1, window_bounds = array<i64: 128, 128>}, {transform_indices = @transform_2, window_bounds = array<i64: 1024, 1>}, {transform_indices = @transform_3, window_bounds = array<i64: 1024, 128>}]} {
    %get3A = arith.constant 0 : index
    %get3A_0 = arith.constant 0 : index
    %get3A_1 = vector.load %arg1[%get3A, %get3A_0] : memref<1024x128xf32, #tpu.memory_space<vmem>>, vector<1024x128xf32>
    %get3A_2 = arith.constant 0 : index
    %get3A_3 = arith.constant 0 : index
    %get3A_4 = vector.load %arg2[%get3A_2, %get3A_3] : memref<128x128xf32, #tpu.memory_space<vmem>>, vector<128x128xf32>
    %dot_general3A = arith.constant dense<0.000000e+00> : vector<1024x128xf32>
    %dot_general3A_5 = tpu.matmul %get3A_1, %get3A_4, %dot_general3A {dimension_numbers = #tpu.dot_dimension_numbers<[1], [1], [0], [0], [0, 0, 1, 0], [], []>, transpose_lhs_hint = false} : vector<1024x128xf32>, vector<128x128xf32>, vector<1024x128xf32> -> vector<1024x128xf32>
    %get3A_6 = arith.constant 0 : index
    %get3A_7 = arith.constant 0 : index
    %get3A_8 = vector.load %arg3[%get3A_6, %get3A_7] : memref<1024x1xf32, #tpu.memory_space<vmem>>, vector<1024x1xf32>
    %mul3A = vector.broadcast %get3A_8 : vector<1024x1xf32> to vector<1024x128xf32>
    %mul3A_9 = arith.mulf %dot_general3A_5, %mul3A : vector<1024x128xf32>
    %swap3A = arith.constant 0 : index
    %swap3A_10 = arith.constant 0 : index
    %swap3A_11 = vector.load %arg4[%swap3A, %swap3A_10] : memref<1024x128xf32, #tpu.memory_space<vmem>>, vector<1024x128xf32>
    tpu.vector_store %arg4[%swap3A, %swap3A_10], %mul3A_9 {strides = array<i32>} : memref<1024x128xf32, #tpu.memory_space<vmem>>, vector<1024x128xf32>,
    return
  }
  func.func @transform_0(%arg0: i32) -> (i32, i32) {
    %c0_i32 = arith.constant 0 : i32
    %c0_i32_0 = arith.constant 0 : i32
    return %arg0, %c0_i32 : i32, i32
  }
  func.func @transform_1(%arg0: i32) -> (i32, i32) {
    %c0_i32 = arith.constant 0 : i32
    %c0_i32_0 = arith.constant 0 : i32
    %c0_i32_1 = arith.constant 0 : i32
    return %c0_i32, %c0_i32_0 : i32, i32
  }
  func.func @transform_2(%arg0: i32) -> (i32, i32) {
    %c0_i32 = arith.constant 0 : i32
    %c0_i32_0 = arith.constant 0 : i32
    return %arg0, %c0_i32 : i32, i32
  }
  func.func @transform_3(%arg0: i32) -> (i32, i32) {
    %c0_i32 = arith.constant 0 : i32
    %c0_i32_0 = arith.constant 0 : i32
    return %arg0, %c0_i32 : i32, i32
  }
}

module attributes {stable_mosaic.version = 14 : i64} {
  func.func @_mid_body(%arg0: i32, %arg1: memref<2x1024x128xf32, #tpu.memory_space<vmem>>, %arg2: memref<1024x128xf32, #tpu.memory_space<vmem>>, %arg3: memref<1024x1xf32, #tpu.memory_space<vmem>>, %arg4: memref<1x128xf32, #tpu.memory_space<vmem>>, %arg5: memref<128x128xf32, #tpu.memory_space<vmem>>, %arg6: memref<1024x128xf32, #tpu.memory_space<vmem>>) attributes {dimension_semantics = [#tpu.dimension_semantics<arbitrary>], iteration_bounds = array<i64: 10>, scalar_prefetch = 0 : i64, scratch_operands = 0 : i64, tpu.core_type = #tpu.core_type<tc>, window_params = [{transform_indices = @transform_0, window_bounds = array<i64: 2, 1024, 128>}, {transform_indices = @transform_1, window_bounds = array<i64: 1024, 128>}, {transform_indices = @transform_2, window_bounds = array<i64: 1024, 1>}, {pipeline_mode = #tpu.pipeline_mode<synchronous>, transform_indices = @transform_3, window_bounds = array<i64: 1, 128>}, {pipeline_mode = #tpu.pipeline_mode<synchronous>, transform_indices = @transform_4, window_bounds = array<i64: 128, 128>}, {transform_indices = @transform_5, window_bounds = array<i64: 1024, 128>}]} {
    %get3A = arith.constant 0 : index
    %get3A_0 = arith.constant 0 : index
    %get3A_1 = vector.load %arg3[%get3A, %get3A_0] : memref<1024x1xf32, #tpu.memory_space<vmem>>, vector<1024x1xf32>
    %get3A_2 = arith.constant 0 : index
    %get3A_3 = arith.constant 0 : index
    %get3A_4 = arith.constant 0 : index
    %get3A_5 = vector.load %arg1[%get3A_2, %get3A_3, %get3A_4] : memref<2x1024x128xf32, #tpu.memory_space<vmem>>, vector<1x1024x128xf32>
    %get3A_6 = vector.shape_cast %get3A_5 : vector<1x1024x128xf32> to vector<1024x128xf32>
    %get3A_7 = arith.constant 1 : index
    %get3A_8 = arith.constant 0 : index
    %get3A_9 = arith.constant 0 : index
    %get3A_10 = vector.load %arg1[%get3A_7, %get3A_8, %get3A_9] : memref<2x1024x128xf32, #tpu.memory_space<vmem>>, vector<1x1024x128xf32>
    %get3A_11 = vector.shape_cast %get3A_10 : vector<1x1024x128xf32> to vector<1024x128xf32>
    %add3A = arith.addf %get3A_6, %get3A_11 : vector<1024x128xf32>
    %get3A_12 = arith.constant 0 : index
    %get3A_13 = arith.constant 0 : index
    %get3A_14 = vector.load %arg2[%get3A_12, %get3A_13] : memref<1024x128xf32, #tpu.memory_space<vmem>>, vector<1024x128xf32>
    %add3A_15 = arith.addf %add3A, %get3A_14 : vector<1024x128xf32>
    %mul3A = vector.broadcast %get3A_1 : vector<1024x1xf32> to vector<1024x128xf32>
    %mul3A_16 = arith.mulf %mul3A, %add3A_15 : vector<1024x128xf32>
    %get3A_17 = arith.constant 0 : index
    %get3A_18 = arith.constant 0 : index
    %get3A_19 = vector.load %arg4[%get3A_17, %get3A_18] : memref<1x128xf32, #tpu.memory_space<vmem>>, vector<1x128xf32>
    %add3A_20 = vector.broadcast %get3A_19 : vector<1x128xf32> to vector<1024x128xf32>
    %add3A_21 = arith.addf %mul3A_16, %add3A_20 : vector<1024x128xf32>
    %max3A = arith.constant 0.000000e+00 : f32
    %max3A_22 = vector.broadcast %max3A : f32 to vector<1024x128xf32>
    %max3A_23 = arith.maximumf %add3A_21, %max3A_22 : vector<1024x128xf32>
    %iota3A = tpu.iota {dimensions = array<i32: 0>} : vector<1024x1xi32>
    %mul3A_24 = arith.constant 1024 : i32
    %mul3A_25 = arith.muli %arg0, %mul3A_24 : i32
    %add3A_26 = vector.broadcast %mul3A_25 : i32 to vector<1024x1xi32>
    %add3A_27 = arith.addi %iota3A, %add3A_26 : vector<1024x1xi32>
    %lt3A = arith.constant 10000 : i32
    %lt3A_28 = vector.broadcast %lt3A : i32 to vector<1024x1xi32>
    %lt3A_29 = arith.cmpi slt, %add3A_27, %lt3A_28 : vector<1024x1xi32>
    %jit3A = arith.constant 0.000000e+00 : f32
    %broadcast_in_dim3A = vector.shape_cast %lt3A_29 : vector<1024x1xi1> to vector<1024x1xi1>
    %broadcast_in_dim3A_30 = vector.broadcast %broadcast_in_dim3A : vector<1024x1xi1> to vector<1024x128xi1>
    %broadcast_in_dim3A_31 = vector.broadcast %jit3A : f32 to vector<1024x128xf32>
    %select_n3A = arith.select %broadcast_in_dim3A_30, %max3A_23, %broadcast_in_dim3A_31 : vector<1024x128xi1>, vector<1024x128xf32>
    %get3A_32 = arith.constant 0 : index
    %get3A_33 = arith.constant 0 : index
    %get3A_34 = vector.load %arg5[%get3A_32, %get3A_33] : memref<128x128xf32, #tpu.memory_space<vmem>>, vector<128x128xf32>
    %dot_general3A = arith.constant dense<0.000000e+00> : vector<1024x128xf32>
    %dot_general3A_35 = tpu.matmul %select_n3A, %get3A_34, %dot_general3A {dimension_numbers = #tpu.dot_dimension_numbers<[1], [1], [0], [0], [0, 0, 1, 0], [], []>, transpose_lhs_hint = false} : vector<1024x128xf32>, vector<128x128xf32>, vector<1024x128xf32> -> vector<1024x128xf32>
    %mul3A_36 = vector.broadcast %get3A_1 : vector<1024x1xf32> to vector<1024x128xf32>
    %mul3A_37 = arith.mulf %dot_general3A_35, %mul3A_36 : vector<1024x128xf32>
    %swap3A = arith.constant 0 : index
    %swap3A_38 = arith.constant 0 : index
    %swap3A_39 = vector.load %arg6[%swap3A, %swap3A_38] : memref<1024x128xf32, #tpu.memory_space<vmem>>, vector<1024x128xf32>
    tpu.vector_store %arg6[%swap3A, %swap3A_38], %mul3A_37 {strides = array<i32>} : memref<1024x128xf32, #tpu.memory_space<vmem>>, vector<1024x128xf32>,
    return
  }
  func.func @transform_0(%arg0: i32) -> (i32, i32, i32) {
    %c0_i32 = arith.constant 0 : i32
    %c0_i32_0 = arith.constant 0 : i32
    %c0_i32_1 = arith.constant 0 : i32
    return %c0_i32, %arg0, %c0_i32_0 : i32, i32, i32
  }
  func.func @transform_1(%arg0: i32) -> (i32, i32) {
    %c0_i32 = arith.constant 0 : i32
    %c0_i32_0 = arith.constant 0 : i32
    return %arg0, %c0_i32 : i32, i32
  }
  func.func @transform_2(%arg0: i32) -> (i32, i32) {
    %c0_i32 = arith.constant 0 : i32
    %c0_i32_0 = arith.constant 0 : i32
    return %arg0, %c0_i32 : i32, i32
  }
  func.func @transform_3(%arg0: i32) -> (i32, i32) {
    %c0_i32 = arith.constant 0 : i32
    %c0_i32_0 = arith.constant 0 : i32
    %c0_i32_1 = arith.constant 0 : i32
    return %c0_i32, %c0_i32_0 : i32, i32
  }
  func.func @transform_4(%arg0: i32) -> (i32, i32) {
    %c0_i32 = arith.constant 0 : i32
    %c0_i32_0 = arith.constant 0 : i32
    %c0_i32_1 = arith.constant 0 : i32
    return %c0_i32, %c0_i32_0 : i32, i32
  }
  func.func @transform_5(%arg0: i32) -> (i32, i32) {
    %c0_i32 = arith.constant 0 : i32
    %c0_i32_0 = arith.constant 0 : i32
    return %arg0, %c0_i32 : i32, i32
  }
}

module attributes {stable_mosaic.version = 14 : i64} {
  func.func @_fin_body(%arg0: i32, %arg1: memref<2x1024x128xf32, #tpu.memory_space<vmem>>, %arg2: memref<1024x128xf32, #tpu.memory_space<vmem>>, %arg3: memref<1024x1xf32, #tpu.memory_space<vmem>>, %arg4: memref<1x64xf32, #tpu.memory_space<vmem>>, %arg5: memref<2x64xf32, #tpu.memory_space<vmem>>, %arg6: memref<1x2xf32, #tpu.memory_space<vmem>>, %arg7: memref<1024x64xf32, #tpu.memory_space<vmem>>, %arg8: memref<1x64xf32, #tpu.memory_space<vmem>>, %arg9: memref<1x2xf32, #tpu.memory_space<vmem>>, %arg10: memref<1x64xf32, #tpu.memory_space<vmem>>) attributes {dimension_semantics = [#tpu.dimension_semantics<arbitrary>], iteration_bounds = array<i64: 10>, scalar_prefetch = 0 : i64, scratch_operands = 1 : i64, tpu.core_type = #tpu.core_type<tc>, window_params = [{transform_indices = @transform_0, window_bounds = array<i64: 2, 1024, 128>}, {transform_indices = @transform_1, window_bounds = array<i64: 1024, 128>}, {transform_indices = @transform_2, window_bounds = array<i64: 1024, 1>}, {pipeline_mode = #tpu.pipeline_mode<synchronous>, transform_indices = @transform_3, window_bounds = array<i64: 1, 64>}, {pipeline_mode = #tpu.pipeline_mode<synchronous>, transform_indices = @transform_4, window_bounds = array<i64: 2, 64>}, {pipeline_mode = #tpu.pipeline_mode<synchronous>, transform_indices = @transform_5, window_bounds = array<i64: 1, 2>}, {transform_indices = @transform_6, window_bounds = array<i64: 1024, 64>}, {pipeline_mode = #tpu.pipeline_mode<synchronous>, transform_indices = @transform_7, window_bounds = array<i64: 1, 64>}, {pipeline_mode = #tpu.pipeline_mode<synchronous>, transform_indices = @transform_8, window_bounds = array<i64: 1, 2>}]} {
    %get3A = arith.constant 0 : index
    %get3A_0 = arith.constant 0 : index
    %get3A_1 = vector.load %arg3[%get3A, %get3A_0] : memref<1024x1xf32, #tpu.memory_space<vmem>>, vector<1024x1xf32>
    %get3A_2 = arith.constant 0 : index
    %get3A_3 = arith.constant 0 : index
    %get3A_4 = arith.constant 0 : index
    %get3A_5 = vector.load %arg1[%get3A_2, %get3A_3, %get3A_4] : memref<2x1024x128xf32, #tpu.memory_space<vmem>>, vector<1x1024x128xf32>
    %get3A_6 = vector.shape_cast %get3A_5 : vector<1x1024x128xf32> to vector<1024x128xf32>
    %slice3A = vector.extract_strided_slice %get3A_6 {offsets = [0, 0], sizes = [1024, 64], strides = [1, 1]} : vector<1024x128xf32> to vector<1024x64xf32>
    %get3A_7 = arith.constant 1 : index
    %get3A_8 = arith.constant 0 : index
    %get3A_9 = arith.constant 0 : index
    %get3A_10 = vector.load %arg1[%get3A_7, %get3A_8, %get3A_9] : memref<2x1024x128xf32, #tpu.memory_space<vmem>>, vector<1x1024x128xf32>
    %get3A_11 = vector.shape_cast %get3A_10 : vector<1x1024x128xf32> to vector<1024x128xf32>
    %slice3A_12 = vector.extract_strided_slice %get3A_11 {offsets = [0, 0], sizes = [1024, 64], strides = [1, 1]} : vector<1024x128xf32> to vector<1024x64xf32>
    %add3A = arith.addf %slice3A, %slice3A_12 : vector<1024x64xf32>
    %get3A_13 = arith.constant 0 : index
    %get3A_14 = arith.constant 0 : index
    %get3A_15 = vector.load %arg2[%get3A_13, %get3A_14] : memref<1024x128xf32, #tpu.memory_space<vmem>>, vector<1024x64xf32>
    %add3A_16 = arith.addf %add3A, %get3A_15 : vector<1024x64xf32>
    %mul3A = vector.broadcast %get3A_1 : vector<1024x1xf32> to vector<1024x64xf32>
    %mul3A_17 = arith.mulf %mul3A, %add3A_16 : vector<1024x64xf32>
    %get3A_18 = arith.constant 0 : index
    %get3A_19 = arith.constant 0 : index
    %get3A_20 = vector.load %arg4[%get3A_18, %get3A_19] : memref<1x64xf32, #tpu.memory_space<vmem>>, vector<1x64xf32>
    %add3A_21 = vector.broadcast %get3A_20 : vector<1x64xf32> to vector<1024x64xf32>
    %add3A_22 = arith.addf %mul3A_17, %add3A_21 : vector<1024x64xf32>
    %max3A = arith.constant 0.000000e+00 : f32
    %max3A_23 = vector.broadcast %max3A : f32 to vector<1024x64xf32>
    %max3A_24 = arith.maximumf %add3A_22, %max3A_23 : vector<1024x64xf32>
    %iota3A = tpu.iota {dimensions = array<i32: 0>} : vector<1024x1xi32>
    %mul3A_25 = arith.constant 1024 : i32
    %mul3A_26 = arith.muli %arg0, %mul3A_25 : i32
    %add3A_27 = vector.broadcast %mul3A_26 : i32 to vector<1024x1xi32>
    %add3A_28 = arith.addi %iota3A, %add3A_27 : vector<1024x1xi32>
    %lt3A = arith.constant 10000 : i32
    %lt3A_29 = vector.broadcast %lt3A : i32 to vector<1024x1xi32>
    %lt3A_30 = arith.cmpi slt, %add3A_28, %lt3A_29 : vector<1024x1xi32>
    %jit3A = arith.constant 0.000000e+00 : f32
    %broadcast_in_dim3A = vector.shape_cast %lt3A_30 : vector<1024x1xi1> to vector<1024x1xi1>
    %broadcast_in_dim3A_31 = vector.broadcast %broadcast_in_dim3A : vector<1024x1xi1> to vector<1024x64xi1>
    %broadcast_in_dim3A_32 = vector.broadcast %jit3A : f32 to vector<1024x64xf32>
    %select_n3A = arith.select %broadcast_in_dim3A_31, %max3A_24, %broadcast_in_dim3A_32 : vector<1024x64xi1>, vector<1024x64xf32>
    %swap3A = arith.constant 0 : index
    %swap3A_33 = arith.constant 0 : index
    %swap3A_34 = vector.load %arg7[%swap3A, %swap3A_33] : memref<1024x64xf32, #tpu.memory_space<vmem>>, vector<1024x64xf32>
    tpu.vector_store %arg7[%swap3A, %swap3A_33], %select_n3A {strides = array<i32>} : memref<1024x64xf32, #tpu.memory_space<vmem>>, vector<1024x64xf32>,
    %reduce_sum3A = arith.constant dense<0.000000e+00> : vector<64xf32>
    %reduce_sum3A_35 = vector.multi_reduction <add>, %select_n3A, %reduce_sum3A [0] : vector<1024x64xf32> to vector<64xf32>
    %broadcast_in_dim3A_36 = vector.shape_cast %reduce_sum3A_35 : vector<64xf32> to vector<1x64xf32>
    %eq3A = arith.constant 0 : i32
    %eq3A_37 = arith.cmpi eq, %arg0, %eq3A : i32
    %convert_element_type3A = arith.extui %eq3A_37 : i1 to i32
    %cond3A = arith.constant 0 : i32
    %cond3A_38 = arith.cmpi ne, %convert_element_type3A, %cond3A : i32
    scf.if %cond3A_38 {
      %swap3A_48 = arith.constant 0 : index
      %swap3A_49 = arith.constant 0 : index
      %swap3A_50 = vector.load %arg10[%swap3A_48, %swap3A_49] : memref<1x64xf32, #tpu.memory_space<vmem>>, vector<1x64xf32>
      tpu.vector_store %arg10[%swap3A_48, %swap3A_49], %broadcast_in_dim3A_36 {strides = array<i32>} : memref<1x64xf32, #tpu.memory_space<vmem>>, vector<1x64xf32>,
    } else {
    }
    %gt3A = arith.constant 0 : i32
    %gt3A_39 = arith.cmpi sgt, %arg0, %gt3A : i32
    %convert_element_type3A_40 = arith.extui %gt3A_39 : i1 to i32
    %cond3A_41 = arith.constant 0 : i32
    %cond3A_42 = arith.cmpi ne, %convert_element_type3A_40, %cond3A_41 : i32
    scf.if %cond3A_42 {
      %get3A_48 = arith.constant 0 : index
      %get3A_49 = arith.constant 0 : index
      %get3A_50 = vector.load %arg10[%get3A_48, %get3A_49] : memref<1x64xf32, #tpu.memory_space<vmem>>, vector<1x64xf32>
      %add3A_51 = arith.addf %get3A_50, %broadcast_in_dim3A_36 : vector<1x64xf32>
      %swap3A_52 = arith.constant 0 : index
      %swap3A_53 = arith.constant 0 : index
      %swap3A_54 = vector.load %arg10[%swap3A_52, %swap3A_53] : memref<1x64xf32, #tpu.memory_space<vmem>>, vector<1x64xf32>
      tpu.vector_store %arg10[%swap3A_52, %swap3A_53], %add3A_51 {strides = array<i32>} : memref<1x64xf32, #tpu.memory_space<vmem>>, vector<1x64xf32>,
    } else {
    }
    %eq3A_43 = arith.constant 9 : i32
    %eq3A_44 = arith.cmpi eq, %arg0, %eq3A_43 : i32
    %convert_element_type3A_45 = arith.extui %eq3A_44 : i1 to i32
    %cond3A_46 = arith.constant 0 : i32
    %cond3A_47 = arith.cmpi ne, %convert_element_type3A_45, %cond3A_46 : i32
    scf.if %cond3A_47 {
      %get3A_48 = arith.constant 0 : index
      %get3A_49 = arith.constant 0 : index
      %get3A_50 = vector.load %arg10[%get3A_48, %get3A_49] : memref<1x64xf32, #tpu.memory_space<vmem>>, vector<1x64xf32>
      %mul3A_51 = arith.constant 9.99999974E-5 : f32
      %mul3A_52 = vector.broadcast %mul3A_51 : f32 to vector<1x64xf32>
      %mul3A_53 = arith.mulf %get3A_50, %mul3A_52 : vector<1x64xf32>
      %swap3A_54 = arith.constant 0 : index
      %swap3A_55 = arith.constant 0 : index
      %swap3A_56 = vector.load %arg8[%swap3A_54, %swap3A_55] : memref<1x64xf32, #tpu.memory_space<vmem>>, vector<1x64xf32>
      tpu.vector_store %arg8[%swap3A_54, %swap3A_55], %mul3A_53 {strides = array<i32>} : memref<1x64xf32, #tpu.memory_space<vmem>>, vector<1x64xf32>,
      %get3A_57 = arith.constant 0 : index
      %get3A_58 = arith.constant 0 : index
      %get3A_59 = vector.load %arg5[%get3A_57, %get3A_58] : memref<2x64xf32, #tpu.memory_space<vmem>>, vector<2x64xf32>
      %dot_general3A = arith.constant dense<0.000000e+00> : vector<1x2xf32>
      %dot_general3A_60 = tpu.matmul %mul3A_53, %get3A_59, %dot_general3A {dimension_numbers = #tpu.dot_dimension_numbers<[1], [1], [0], [0], [0, 0, 1, 0], [], []>, transpose_lhs_hint = false} : vector<1x64xf32>, vector<2x64xf32>, vector<1x2xf32> -> vector<1x2xf32>
      %get3A_61 = arith.constant 0 : index
      %get3A_62 = arith.constant 0 : index
      %get3A_63 = vector.load %arg6[%get3A_61, %get3A_62] : memref<1x2xf32, #tpu.memory_space<vmem>>, vector<1x2xf32>
      %add3A_64 = arith.addf %dot_general3A_60, %get3A_63 : vector<1x2xf32>
      %reduce_max3A = arith.constant dense<0xFF800000> : vector<1xf32>
      %reduce_max3A_65 = vector.multi_reduction <maximumf>, %add3A_64, %reduce_max3A [1] : vector<1x2xf32> to vector<1xf32>
      %broadcast_in_dim3A_66 = vector.shape_cast %reduce_max3A_65 : vector<1xf32> to vector<1x1xf32>
      %sub3A = vector.broadcast %broadcast_in_dim3A_66 : vector<1x1xf32> to vector<1x2xf32>
      %sub3A_67 = arith.subf %add3A_64, %sub3A : vector<1x2xf32>
      %exp3A = math.exp %sub3A_67 : vector<1x2xf32>
      %reduce_sum3A_68 = arith.constant dense<0.000000e+00> : vector<1xf32>
      %reduce_sum3A_69 = vector.multi_reduction <add>, %exp3A, %reduce_sum3A_68 [1] : vector<1x2xf32> to vector<1xf32>
      %broadcast_in_dim3A_70 = vector.shape_cast %reduce_sum3A_69 : vector<1xf32> to vector<1x1xf32>
      %div3A = vector.broadcast %broadcast_in_dim3A_70 : vector<1x1xf32> to vector<1x2xf32>
      %div3A_71 = arith.divf %exp3A, %div3A : vector<1x2xf32>
      %swap3A_72 = arith.constant 0 : index
      %swap3A_73 = arith.constant 0 : index
      %swap3A_74 = vector.load %arg9[%swap3A_72, %swap3A_73] : memref<1x2xf32, #tpu.memory_space<vmem>>, vector<1x2xf32>
      tpu.vector_store %arg9[%swap3A_72, %swap3A_73], %div3A_71 {strides = array<i32>} : memref<1x2xf32, #tpu.memory_space<vmem>>, vector<1x2xf32>,
    } else {
    }
    return
  }
  func.func @transform_0(%arg0: i32) -> (i32, i32, i32) {
    %c0_i32 = arith.constant 0 : i32
    %c0_i32_0 = arith.constant 0 : i32
    %c0_i32_1 = arith.constant 0 : i32
    return %c0_i32, %arg0, %c0_i32_0 : i32, i32, i32
  }
  func.func @transform_1(%arg0: i32) -> (i32, i32) {
    %c0_i32 = arith.constant 0 : i32
    %c0_i32_0 = arith.constant 0 : i32
    return %arg0, %c0_i32 : i32, i32
  }
  func.func @transform_2(%arg0: i32) -> (i32, i32) {
    %c0_i32 = arith.constant 0 : i32
    %c0_i32_0 = arith.constant 0 : i32
    return %arg0, %c0_i32 : i32, i32
  }
  func.func @transform_3(%arg0: i32) -> (i32, i32) {
    %c0_i32 = arith.constant 0 : i32
    %c0_i32_0 = arith.constant 0 : i32
    %c0_i32_1 = arith.constant 0 : i32
    return %c0_i32, %c0_i32_0 : i32, i32
  }
  func.func @transform_4(%arg0: i32) -> (i32, i32) {
    %c0_i32 = arith.constant 0 : i32
    %c0_i32_0 = arith.constant 0 : i32
    %c0_i32_1 = arith.constant 0 : i32
    return %c0_i32, %c0_i32_0 : i32, i32
  }
  func.func @transform_5(%arg0: i32) -> (i32, i32) {
    %c0_i32 = arith.constant 0 : i32
    %c0_i32_0 = arith.constant 0 : i32
    %c0_i32_1 = arith.constant 0 : i32
    return %c0_i32, %c0_i32_0 : i32, i32
  }
  func.func @transform_6(%arg0: i32) -> (i32, i32) {
    %c0_i32 = arith.constant 0 : i32
    %c0_i32_0 = arith.constant 0 : i32
    return %arg0, %c0_i32 : i32, i32
  }
  func.func @transform_7(%arg0: i32) -> (i32, i32) {
    %c0_i32 = arith.constant 0 : i32
    %c0_i32_0 = arith.constant 0 : i32
    %c0_i32_1 = arith.constant 0 : i32
    return %c0_i32, %c0_i32_0 : i32, i32
  }
  func.func @transform_8(%arg0: i32) -> (i32, i32) {
    %c0_i32 = arith.constant 0 : i32
    %c0_i32_0 = arith.constant 0 : i32
    %c0_i32_1 = arith.constant 0 : i32
    return %c0_i32, %c0_i32_0 : i32, i32
  }
}

</mosaic_0001>

<sc_bundles>
// kernel: kernel.12.cloned.1.call-start
scs
__scs_entry_jumppad:
0x0: {  	(pc) =	sbr.rel $0x88, $3  }
0x1: {  	(tag) =	ssettag $0x0;
	lr =	simm.s32 $0x1  }
0x2: {  	[smem:$0x3F99] =	sst lr;
	_ =	strace $0xD0000000  }
0x3: {  	_ = 	snop  }
0x4: {  	_ = 	snop  }
0x5: {  	_ = 	snop  }
0x6: {  	_ = 	snop  }
0x7: {  	_ = 	snop  }
__scs_overlays_trampoline_lowered:
0x8: {  	[smem:$0x3FA8] =	sst s0  }
0x9: {  	[smem:$0x3FA9] =	sst s1  }
0xa: {  	[smem:$0x3FAA] =	sst s2  }
0xb: {  	[smem:$0x3FAB] =	sst s3  }
0xc: {  	[smem:$0x3FAC] =	sst s4  }
0xd: {  	[smem:$0x3FAD] =	sst s5  }
0xe: {  	[smem:$0x3FAE] =	sst s6  }
0xf: {  	[smem:$0x3FAF] =	sst s7  }
0x10: {  	[smem:$0x3FB0] =	sst s8  }
0x11: {  	[smem:$0x3FB1] =	sst s9;
	s0 =	simm.s32 @!p0 $0x0  }
0x12: {  	s1 =	sld [smem:$0x3F97];
	s0 =	simm.s32 @p0 $0x1  }
0x13: {  	[smem:$0x3FB2] =	sst s0;
	s0 =	simm.s32 @!p1 $0x0  }
0x14: {  	s2 =	sld [smem:$0x3F96];
	s0 =	simm.s32 @p1 $0x1  }
0x15: {  	[smem:$0x3FB3] =	sst s0;
	s0 =	simm.s32 @!p2 $0x0  }
0x16: {  	s3 =	sld [smem:$0x3FDB];
	s0 =	simm.s32 @p2 $0x1  }
0x17: {  	s4 =	simm.s32 $0x1BF5;
	[smem:$0x3FB5] =	sst s0  }
0x18: {  	s0 =	sld [smem:$0x3F98];
	_ =	swait.ge [sflag:s4], $0x0  }
0x19: {  	s7 =	sld [smem:$0x3F99]  }
0x1a: {  	s8 =	sadd.s32 $0xFFFFE003, lr  }
0x1b: {  	s9 =	sadd.s32 $0xFFFFFEF7, lr;
	s5 =	simm.s32 $0xFFFFFFFF;
	p2 =	slt.u32 s8, $0xFFFFF086  }
0x1c: {  	p1 =	slt.u32 s9, $0xF7A;
	s5 =	simm.s32 @!p2 $0x0  }
0x1d: {  	s5 =	simm.s32 @p1 $0x1;
	p0 =	seq.s32 s7, s2  }
0x1e: {  	s7 =	smul.u32 @!p0 $0xF7A, s2;
	p2 =	seq.s32 @!p0 s5, $0x0  }
0x1f: {  	s9 =	smul.u32 $0xF7A, s1;
	s8 =	simm.s32 @!p0 $0x1BF5;
	p2 =	por !p2, p0  }
0x20: {  	[sflag:s8] =	ssyncset.s32 @!p0 $0xFFFFF086;
	s6 =	sadd.s32 @!p0 s3, s7;
	s7 =	simm.s32 @!p0 $0x108  }
0x21: {  	s3 =	sadd.s32 s3, s9;
	s6 =	sadd.s32 @!p0 $0x88, s6;
	s7 =	simm.s32 @p2 $0x1082  }
0x22: {  	[simem:s7], [sflag:s8] =	dma.local @!p0 [hbm:s6], $0xF7A  }
0x23: {  	s9 =	sor.u32 $0xD0000000, s2;
	s6 =	simm.s32 $0x108;
	_ =	swait.ge @!p0 [sflag:s8], $0x0  }
0x24: {  	s3 =	sadd.s32 $0x88, s3;
	s6 =	simm.s32 @!p1 $0x1082;
	[sflag:s4] =	ssyncset.s32 $0xFFFFF086  }
0x25: {  	[simem:s6], [sflag:s4] =	dma.local [hbm:s3], $0xF7A  }
0x26: {  	[smem:$0x3F99] =	sst s1;
	(tag) =	ssettag s2;
	_ =	strace s9  }
0x27: {  	s1 =	sld [smem:$0x3FA9]  }
0x28: {  	s2 =	sld [smem:$0x3FAA]  }
0x29: {  	s4 =	sld [smem:$0x3FAC]  }
0x2a: {  	p0 =	seq.s32 s5, $0x0;
	s5 =	sld [smem:$0x3FAD]  }
0x2b: {  	s6 =	sld [smem:$0x3FAE]  }
0x2c: {  	s7 =	sld [smem:$0x3FAF]  }
0x2d: {  	s3 =	simm.s32 $0x108;
	s8 =	sld [smem:$0x3FB0]  }
0x2e: {  	s3 =	simm.s32 @!p0 $0x1082;
	s9 =	sld [smem:$0x3FB1]  }
0x2f: {  	lr =	sadd.s32 s0, s3;
	s0 =	sld [smem:$0x3FA8]  }
0x30: {  	s3 =	sld [smem:$0x3FAB]  }
0x31: {  	[smem:$0x3FB4] =	sst s10  }
0x32: {  	s10 =	sld [smem:$0x3FB2];
	_ =	sdelay $0x3  }
0x33: {  	p0 =	seq.s32 s10, $0x1;
	s10 =	sld [smem:$0x3FB4];
	_ =	sdelay $0x3  }
0x34: {  	[smem:$0x3FB4] =	sst s10  }
0x35: {  	s10 =	sld [smem:$0x3FB3];
	_ =	sdelay $0x3  }
0x36: {  	p1 =	seq.s32 s10, $0x1;
	s10 =	sld [smem:$0x3FB4];
	_ =	sdelay $0x3  }
0x37: {  	[smem:$0x3FB4] =	sst s10  }
0x38: {  	s10 =	sld [smem:$0x3FB5]  }
0x39: {  	_ = 	snop;
	(pc) =	sbr.ind lr, $3  }
0x3a: {  	_ = 	snop  }
0x3b: {  	_ = 	snop  }
0x3c: {  	p2 =	seq.s32 s10, $0x1;
	s10 =	sld [smem:$0x3FB4]  }
0x3d: {  	_ =	shalt  }
0x3e: {  	_ =	shalt  }
0x3f: {  	_ =	shalt  }
0x40: {  	_ =	shalt  }
0x41: {  	_ =	shalt  }
0x42: {  	_ =	shalt  }
0x43: {  	_ =	shalt  }
0x44: {  	_ =	shalt  }
0x45: {  	_ =	shalt  }
0x46: {  	_ =	shalt  }
0x47: {  	_ =	shalt  }
0x48: {  	_ =	shalt  }
0x49: {  	_ =	shalt  }
0x4a: {  	_ =	shalt  }
0x4b: {  	_ =	shalt  }
0x4c: {  	_ =	shalt  }
0x4d: {  	_ =	shalt  }
0x4e: {  	_ =	shalt  }
0x4f: {  	_ =	shalt  }
0x50: {  	_ =	shalt  }
0x51: {  	_ =	shalt  }
0x52: {  	_ =	shalt  }
0x53: {  	_ =	shalt  }
0x54: {  	_ =	shalt  }
0x55: {  	_ =	shalt  }
0x56: {  	_ =	shalt  }
0x57: {  	_ =	shalt  }
0x58: {  	_ =	shalt  }
0x59: {  	_ =	shalt  }
0x5a: {  	_ =	shalt  }
0x5b: {  	_ =	shalt  }
0x5c: {  	_ =	shalt  }
0x5d: {  	_ =	shalt  }
0x5e: {  	_ =	shalt  }
0x5f: {  	_ =	shalt  }
0x60: {  	_ =	shalt  }
0x61: {  	_ =	shalt  }
0x62: {  	_ =	shalt  }
0x63: {  	_ =	shalt  }
0x64: {  	_ =	shalt  }
0x65: {  	_ =	shalt  }
0x66: {  	_ =	shalt  }
0x67: {  	_ =	shalt  }
0x68: {  	_ =	shalt  }
0x69: {  	_ =	shalt  }
0x6a: {  	_ =	shalt  }
0x6b: {  	_ =	shalt  }
0x6c: {  	_ =	shalt  }
0x6d: {  	_ =	shalt  }
0x6e: {  	_ =	shalt  }
0x6f: {  	_ =	shalt  }
0x70: {  	_ =	shalt  }
0x71: {  	_ =	shalt  }
0x72: {  	_ =	shalt  }
0x73: {  	_ =	shalt  }
0x74: {  	_ =	shalt  }
0x75: {  	_ =	shalt  }
0x76: {  	_ =	shalt  }
0x77: {  	_ =	shalt  }
0x78: {  	_ =	shalt  }
0x79: {  	_ =	shalt  }
0x7a: {  	_ =	shalt  }
0x7b: {  	_ =	shalt  }
0x7c: {  	_ =	shalt  }
0x7d: {  	_ =	shalt  }
0x7e: {  	_ =	shalt  }
0x7f: {  	_ =	shalt  }
0x80: {  	_ =	shalt  }
0x81: {  	_ =	shalt  }
0x82: {  	_ =	shalt  }
0x83: {  	_ =	shalt  }
0x84: {  	_ =	shalt  }
0x85: {  	_ =	shalt  }
0x86: {  	_ =	shalt  }
0x87: {  	_ =	shalt  }
.Lfunc_end0:
.L_simem_size_0:
called_computation.1_lowered:
.L_overlay_start_0:
0x88: {  	s2 =	sld [smem:$0x3FD9]  }
0x89: {  	s3 =	sld [smem:$0x3FFE];
	_ =	sdelay $0x1  }
0x8a: {  	s1 =	srdreg.scid  }
0x8b: {  	s0 =	sand.u32 $0x1, s1  }
0x8c: {  	s14 =	sshll.u32 s0, $0xA;
	s2 =	sadd.s32 s3, s2  }
0x8d: {  	s2 =	sadd.s32 s2, s14  }
0x8e: {  	[smem:$0x3FC0] =	sst s2  }
0x8f: {  	_ = 	snop  }
0x90: {  	s2 =	sld [smem:$0x3FD0];
	_ =	sdelay $0x2  }
0x91: {  	s15 =	simm.s32 $0xA;
	s4 =	simm.s32 $0x10  }
0x92: {  	[smem:s4], [sflag:s15] =	dma.local [hbm:s2], $0x1  }
0x93: {  	_ =	swait.eq [sflag:s15], $0x1  }
0x94: {  	[sflag:s15] =	ssyncset.done $0x0  }
0x95: {  	[sflag:s15] =	ssyncadd.s32 $0xFFFFFFFF  }
0x96: {  	s16 =	sld [smem:$0x11];
	(tm) =	ssettm $0x1  }
0x97: {  	s17 =	sld [smem:$0x3FFB];
	_ =	sdelay $0x3  }
0x98: {  	_ =	strace s17  }
0x99: {  	s3 =	sld [smem:$0x3FFC];
	_ =	sdelay $0x3  }
0x9a: {  	_ =	strace s3  }
0x9b: {  	s3 =	sld [smem:$0x3FFD];
	_ =	sdelay $0x3  }
0x9c: {  	_ =	strace s3  }
0x9d: {  	_ =	strace $0x8FFFFFFF  }
0x9e: {  	s18 =	sld [smem:$0x3FDB];
	_ =	sdelay $0x1  }
0x9f: {  	s19 =	simm.s32 $_scs_section_size  }
0xa0: {  	s5 =	simm.s32 $_size__tile_overlayer_lowered;
	s6 =	simm.s32 $_tile_overlayer_lowered  }
0xa1: {  	s22 =	simm.s32 $0x1BFF;
	s21 =	sshll.u32 s6, $0x1;
	s3 =	sadd.s32 s19, s18  }
0xa2: {  	s7 =	simm.s32 $0x0;
	s20 =	sshll.u32 s5, $0x1;
	s5 =	sadd.s32 s21, s3  }
0xa3: {  	[timem:s7], [sflag:s22] =	dma.local [hbm:s5], s20  }
0xa4: {  	_ =	swait.ge [sflag:s22], s20  }
0xa5: {  	s4 =	ssub.s32 $0x0, s20;
	[sflag:s22] =	ssyncset.done $0x0  }
0xa6: {  	[sflag:s22] =	ssyncadd.s32 s4;
	_ =	sdelay $0x1  }
0xa7: {  	s23 =	simm.s32 $0x1B8B  }
0xa8: {  	_ =	swait.ge [sflag:s23], $0x1  }
0xa9: {  	[sflag:s23] =	ssyncset.done $0x0  }
0xaa: {  	s25 =	simm.s32 $0x1B8E;
	s24 =	sld [smem:$0x3FFE];
	[sflag:s23] =	ssyncadd.s32 $0xFFFFFFFF  }
0xab: {  	s26 =	simm.s32 $execute0_lowered;
	[smem:$0x3FD2] =	sst s25  }
0xac: {  	s5 =	sshll.u32 s26, $0x1;
	_ =	strace $0x80000049;
	[dreg:$0x1] =	wrdreg $0xFFFFFFFF  }
0xad: {  	s28 =	simm.s32 $_size_execute0_lowered;
	s3 =	sadd.s32 s3, s5;
	[dreg:$0x0] =	wrdreg $0x0  }
0xae: {  	s5 =	sshll.u32 s28, $0x1;
	[dreg:$0x2] =	wrdreg s3  }
0xaf: {  	[dreg:$0x3] =	wrdreg s5  }
0xb0: {  	[dreg:$0x4] =	wrdreg $0xC0  }
0xb1: {  	_ =	task [dreg:s7], $0x5FFFF  }
0xb2: {  	[dreg:$0x1] =	wrdreg $0xFFFFFFFF  }
0xb3: {  	[dreg:$0x0] =	wrdreg $0x60  }
0xb4: {  	[dreg:$0x2] =	wrdreg s16  }
0xb5: {  	[dreg:$0x3] =	wrdreg s24  }
0xb6: {  	[dreg:$0x4] =	wrdreg $0x90000  }
0xb7: {  	[dreg:$0x5] =	wrdreg $0x9  }
0xb8: {  	_ =	task.clear_ibuf [dreg:s7], $0x6FFFF;
	_ =	strace $0x90000049  }
0xb9: {  	s29 =	simm.s32 $0x9;
	_ =	strace $0x8000004B  }
0xba: {  	_ =	swait.ge [sflag:s29], $0x1  }
0xbb: {  	[sflag:s29] =	ssyncadd.s32 $0xFFFFFFFF  }
0xbc: {  	_ =	strace $0x9000004B  }
0xbd: {  	_ =	sfence  }
0xbe: {  	s30 =	sld [smem:$0x0];
	_ =	sdelay $0x2  }
0xbf: {  	s31 =	sshll.u32 s1, $0xD;
	s1 =	sshrl.u32 s1, $0x2  }
0xc0: {  	s3 =	sand.u32 $0x4000, s31;
	s1 =	sadd.s32 s1, s30  }
0xc1: {  	s0 =	sor.u32 s3, s0;
	s1 =	sshll.u32 s1, $0x11  }
0xc2: {  	s0 =	sor.u32 s1, s0  }
0xc3: {  	s0 =	sadd.s32 $0x8F2B, s0  }
0xc4: {  	[sflag:s0] =	ssyncadd.remote.s32 $0x1  }
0xc5: {  	_ =	sfence.sel $0xFFFF  }
0xc6: {  	[dreg:$0x0] =	wrdreg $0xFFFFFFFF;
	(pc) =	sbr.abs _section_cstart, $3  }
0xc7: {  	[dreg:$0x1] =	wrdreg $0xFFFFFFFF  }
0xc8: {  	_ =	task.clear_ibuf [dreg:s7], $0x2FFFF;
	_ =	strace $0x9FFFFFFF  }
0xc9: {  	(tm) =	ssettm $0x7FFFFFFF  }
tec
execute0_lowered:
.L_overlay_start_1:
0x0: {  	(tag) =	ssettag $0x1  }
0x1: {  	s10 =	rddreg [dreg:$0x0]  }
0x2: {  	s1 =	srdreg.scid;
	s6 =	rddreg [dreg:$0x1]  }
0x3: {  	s0 =	stileid.u32;
	s2 =	rddreg [dreg:$0x2];
	s3 =	simm.s32 $0x0  }
0x4: {  	s15 =	simm.s32 $0x2;
	s16 =	simm.s32 $0x2800;
	s17 =	simm.s32 $0x80  }
0x5: {  	s18 =	simm.s32 $0x1;
	s5 =	sand.u32 $0x1, s1;
	s8 =	smul.u32 $0x14000, s0  }
0x6: {  	s28 =	sshll.u32 s0, $0x1;
	[smem:$0x7FF] =	sst s3;
	s9 =	smul.u32 $0x50000, s0  }
0x7: {  	s4 =	sadd.s32 $0xC200, s6;
	s19 =	sshll.u32 s0, $0x6;
	s1 =	sor.u32 s5, s28  }
0x8: {  	s7 =	smul.u32 $0x140000, s5;
	s29 =	ssub.s32 $0x2, s5;
	s19 =	sor.u32 $0x1C02, s19  }
0x9: {  	s11 =	smul.u32 $0x500, s1;
	s1 =	rddreg [dreg:$0x3];
	_ =	strace $0x8000004A  }
0xa: {  	s30 =	sshrl.u32 s9, $0x2;
	s31 =	sshrl.u32 s29, $0x1;
	s7 =	sadd.s32 s8, s7  }
0xb: {  	s5 =	sadd.s32 s30, s2;
	s14 =	ssub.s32 s29, s31;
	s12 =	sadd.s32 s11, s6  }
0xc: {  	s7 =	sshrl.u32 s7, $0x3;
	s8 =	sadd.s32 $0xC000, s5;
	s9 =	sadd.s32 $0x10000, s5  }
0xd: {  	s10 =	sadd.s32 s10, s11;
	s20 =	sshrl.u32 s5, $0x3;
	s13 =	sadd.s32 s7, s6  }
0xe: {  	s6 =	sadd.s32 $0x4000, s5;
	s7 =	sadd.s32 $0x8000, s5;
	s11 =	sadd.s32 $0x2200, s12  }
0xf: {  	v0 =	vimm.f32 $0.0e+00;
	s12 =	sadd.s32 $0x34200, s13;
	s13 =	smax.u32 s14, $0x1;
	s14 =	simm.s32 $0x5000  }
.LBB2_1:
0x10: {  	s21 =	simm.s32 $0x0;
	s22 =	simm.s32 $0x200  }
.LBB2_2:
0x11: {  	p0 =	sne.s32 s22, $0xFE00;
	[tilespmem:s21+$0x5070] =	vst v0  }
0x12: {  	[tilespmem:s21+$0x5000] =	vst v0  }
0x13: {  	[tilespmem:s21+$0x5010] =	vst v0  }
.Ltmp0:
0x14: {  	[tilespmem:s21+$0x5020] =	vst v0;
	(pc) =	sbr.rel @p0 .LBB2_2-.Ltmp0, $4  }
0x15: {  	[tilespmem:s21+$0x5030] =	vst v0  }
0x16: {  	[tilespmem:s21+$0x5040] =	vst v0  }
0x17: {  	[tilespmem:s21+$0x5050] =	vst v0  }
0x18: {  	[tilespmem:s21+$0x5060] =	vst v0;
	s21 =	sshra.s32 s22, $0x2;
	s22 =	sadd.s32 $0x200, s22  }
0x19: {  	[tilespmem:s21+$0x5070] =	vst v0  }
0x1a: {  	[tilespmem:s21+$0x5000] =	vst v0  }
0x1b: {  	[tilespmem:s21+$0x5010] =	vst v0  }
0x1c: {  	[tilespmem:s21+$0x5020] =	vst v0  }
0x1d: {  	[tilespmem:s21+$0x5030] =	vst v0  }
0x1e: {  	[tilespmem:s21+$0x5040] =	vst v0  }
0x1f: {  	[tilespmem:s21+$0x5050] =	vst v0  }
0x20: {  	[tilespmem:s21+$0x5060] =	vst v0  }
0x21: {  	[spmem:s5] =	stream.linear.scatter [tilespmem:s14], [sflag:$0x2], $0x4000, $0x38;
	[tilespmem:$0x1D000] =	vst v63  }
0x22: {  	_ =	swait.ge [sflag:s15], $0x4000  }
0x23: {  	[sflag:s15] =	ssyncset.done $0x0  }
0x24: {  	[sflag:s15] =	ssyncadd.s32 $0xFFFFC000  }
0x25: {  	[spmem:s6] =	stream.linear.scatter [tilespmem:s14], [sflag:$0x2], $0x4000, $0x38;
	[tilespmem:$0x1D000] =	vst v63  }
0x26: {  	_ =	swait.ge [sflag:s15], $0x4000  }
0x27: {  	[sflag:s15] =	ssyncset.done $0x0  }
0x28: {  	[sflag:s15] =	ssyncadd.s32 $0xFFFFC000  }
0x29: {  	[spmem:s7] =	stream.linear.scatter [tilespmem:s14], [sflag:$0x2], $0x4000, $0x38;
	[tilespmem:$0x1D000] =	vst v63  }
0x2a: {  	_ =	swait.ge [sflag:s15], $0x4000  }
0x2b: {  	[sflag:s15] =	ssyncset.done $0x0  }
0x2c: {  	[sflag:s15] =	ssyncadd.s32 $0xFFFFC000  }
0x2d: {  	[spmem:s8] =	stream.linear.scatter [tilespmem:s14], [sflag:$0x2], $0x4000, $0x38;
	[tilespmem:$0x1D000] =	vst v63  }
0x2e: {  	_ =	swait.ge [sflag:s15], $0x4000  }
0x2f: {  	[sflag:s15] =	ssyncset.done $0x0  }
0x30: {  	[sflag:s15] =	ssyncadd.s32 $0xFFFFC000  }
0x31: {  	[spmem:s9] =	stream.linear.scatter [tilespmem:s14], [sflag:$0x2], $0x4000, $0x38;
	[tilespmem:$0x1D000] =	vst v63  }
0x32: {  	_ =	swait.ge [sflag:s15], $0x4000  }
0x33: {  	[sflag:s15] =	ssyncset.done $0x0  }
0x34: {  	[sflag:s15] =	ssyncadd.s32 $0xFFFFC000  }
0x35: {  	s29 =	simm.s32 $0x0;
	[bflag:$0x0] =	sbarrier.arrive $0xFFFF  }
0x36: {  	[tilespmem:s29], [sflag:$0x2] =	stream.linear.gather [hbm4b:s10+s29], $0x2780, $0x38;
	[tilespmem:$0x1D000] =	vst v63  }
0x37: {  	_ =	swait.ge [sflag:s15], $0x2780  }
0x38: {  	[sflag:s15] =	ssyncset.done $0x0  }
0x39: {  	[sflag:s15] =	ssyncadd.s32 $0xFFFFD880  }
0x3a: {  	[tilespmem:s16], [sflag:$0x2] =	stream.linear.gather [hbm4b:s11+s29], $0x2780, $0x38;
	[tilespmem:$0x1D000] =	vst v63  }
0x3b: {  	_ =	swait.ge [sflag:s15], $0x2780  }
0x3c: {  	[sflag:s15] =	ssyncset.done $0x0  }
0x3d: {  	s30 =	simm.s32 $0x0;
	[sflag:s15] =	ssyncadd.s32 $0xFFFFD880  }
0x3e: {  	[tilespmem:s14], [sflag:$0x1] =	stream.indirect.gather [hbm4b:s4+s17], $0x80, s30, s17, $0xb8;
	[tilespmem:$0x1D000] =	vst v63  }
0x3f: {  	_ =	swait.ge [sflag:s18], $0x4000  }
0x40: {  	[sflag:s18] =	ssyncset.done $0x0  }
0x41: {  	s31 =	simm.s32 $0x2800;
	[sflag:s18] =	ssyncadd.s32 $0xFFFFC000  }
0x42: {  	[spmem:s2] =	stream.indirect.scatter.add.f32 [tilespmem:s14], [sflag:$0x2], $0x80, s31, s17, $0xb8;
	[tilespmem:$0x1D000] =	vst v63  }
0x43: {  	_ =	swait.ge [sflag:s15], $0x4000  }
0x44: {  	s21 =	simm.s32 $0x200;
	s22 =	simm.s32 $0x400;
	[sflag:s15] =	ssyncset.done $0x0  }
.LBB2_4:
0x45: {  	s23 =	sshra.s32 s21, $0x2  }
0x46: {  	[sflag:s15] =	ssyncadd.s32 $0xFFFFC000;
	s21 =	smov.u32 s22;
	s24 =	sadd.s32 $0x200, s22  }
0x47: {  	[tilespmem:s14], [sflag:$0x1] =	stream.indirect.gather [hbm4b:s4+s17], $0x80, s23, s17, $0xb8;
	[tilespmem:$0x1D000] =	vst v63  }
0x48: {  	p0 =	sne.s32 s22, $0x9C00;
	_ =	swait.ge [sflag:s18], $0x4000  }
.Ltmp1:
0x49: {  	[sflag:s18] =	ssyncset.done $0x0;
	(pc) =	sbr.rel @p0 .LBB2_4-.Ltmp1, $4  }
0x4a: {  	s22 =	sadd.s32 $0x2800, s23;
	[sflag:s18] =	ssyncadd.s32 $0xFFFFC000  }
0x4b: {  	[spmem:s2] =	stream.indirect.scatter.add.f32 [tilespmem:s14], [sflag:$0x2], $0x80, s22, s17, $0xb8;
	[tilespmem:$0x1D000] =	vst v63  }
0x4c: {  	_ =	swait.ge [sflag:s15], $0x4000  }
0x4d: {  	s22 =	smov.u32 s24;
	[sflag:s15] =	ssyncset.done $0x0  }
0x4e: {  	s21 =	sshra.s32 s21, $0x2;
	[sflag:s15] =	ssyncadd.s32 $0xFFFFC000  }
0x4f: {  	[tilespmem:s14], [sflag:$0x1] =	stream.indirect.gather [hbm4b:s4+s17], $0x80, s21, s17, $0xb8;
	[tilespmem:$0x1D000] =	vst v63  }
0x50: {  	_ =	swait.ge [sflag:s18], $0x4000  }
0x51: {  	[sflag:s18] =	ssyncset.done $0x0  }
0x52: {  	s21 =	sadd.s32 $0x2800, s21;
	[sflag:s18] =	ssyncadd.s32 $0xFFFFC000  }
0x53: {  	[spmem:s2] =	stream.indirect.scatter.add.f32 [tilespmem:s14], [sflag:$0x2], $0x80, s21, s17, $0xb8;
	[tilespmem:$0x1D000] =	vst v63  }
0x54: {  	_ =	swait.ge [sflag:s15], $0x4000  }
0x55: {  	s3 =	sadd.s32 $0x1, s3;
	[sflag:s15] =	ssyncset.done $0x0  }
0x56: {  	p0 =	sne.s32 s3, s13;
	[sflag:s15] =	ssyncadd.s32 $0xFFFFC000  }
.Ltmp2:
0x57: {  	[bflag:$0x0] =	sbarrier.arrive $0xFFFF;
	(pc) =	sbr.rel @p0 .LBB2_1-.Ltmp2, $4  }
0x58: {  	[hbm:s12], [sflag:s19] =	dma.local [spmem:s20], $0x2800  }
0x59: {  	_ =	swait.ge [sflag:s15], $0x2800  }
0x5a: {  	[sflag:s15] =	ssyncset.done $0x0  }
0x5b: {  	[sflag:s15] =	ssyncadd.s32 $0xFFFFD800  }
0x5c: {  	_ =	sfence.sel $0x180000  }
0x5d: {  	[bflag:$0x0] =	sbarrier.arrive $0xFFFF  }
0x5e: {  	p0 =	sne.s32 s0, $0x0;
	_ =	strace $0x9000004A  }
0x5f: {  	s0 =	sadd.s32 @!p0 $0x100000, s1;
	[bflag:$0x2] =	sbarrier.arrive $0xFFFF  }
0x60: {  	[sflag:s0] =	ssyncadd.tile.s32 @!p0 $0x1;
	_ =	shalt  }
.Lfunc_end2:
_tile_overlayer_lowered:
.L_overlay_start_2:
0x61: {  	(tag) =	ssettag $0x2  }
0x62: {  	s0 =	rddreg [dreg:$0x0];
	s2 =	stileid.u32  }
0x63: {  	s1 =	rddreg [dreg:$0x1];
	p0 =	sne.s32 s2, $0x0  }
0x64: {  	s3 =	rddreg [dreg:$0x2];
	[bflag:$0x3] =	sbarrier.arrive $0xFFFF;
	s2 =	simm.s32 @!p0 $0x1C02  }
0x65: {  	[timem:s3], [sflag:s2] =	dma.local @!p0 [hbm:s0], s1  }
0x66: {  	s0 =	simm.s32 @!p0 $0x2  }
0x67: {  	_ =	swait.ge @!p0 [sflag:s0], s1  }
0x68: {  	s1 =	ssub.s32 @!p0 $0x0, s1;
	[sflag:s0] =	ssyncset.done @!p0 $0x0  }
0x69: {  	[sflag:s0] =	ssyncadd.s32 @!p0 s1  }
0x6a: {  	[bflag:$0x3] =	sbarrier.arrive $0xFFFF  }
0x6b: {  	_ =	shalt  }

// kernel: kernel.15.cloned.1.call-start
scs
__scs_entry_jumppad:
0x0: {  	(pc) =	sbr.rel $0x88, $3  }
0x1: {  	(tag) =	ssettag $0x0;
	lr =	simm.s32 $0x1  }
0x2: {  	[smem:$0x3F99] =	sst lr;
	_ =	strace $0xD0000000  }
0x3: {  	_ = 	snop  }
0x4: {  	_ = 	snop  }
0x5: {  	_ = 	snop  }
0x6: {  	_ = 	snop  }
0x7: {  	_ = 	snop  }
__scs_overlays_trampoline_lowered:
0x8: {  	[smem:$0x3FA8] =	sst s0  }
0x9: {  	[smem:$0x3FA9] =	sst s1  }
0xa: {  	[smem:$0x3FAA] =	sst s2  }
0xb: {  	[smem:$0x3FAB] =	sst s3  }
0xc: {  	[smem:$0x3FAC] =	sst s4  }
0xd: {  	[smem:$0x3FAD] =	sst s5  }
0xe: {  	[smem:$0x3FAE] =	sst s6  }
0xf: {  	[smem:$0x3FAF] =	sst s7  }
0x10: {  	[smem:$0x3FB0] =	sst s8  }
0x11: {  	[smem:$0x3FB1] =	sst s9;
	s0 =	simm.s32 @!p0 $0x0  }
0x12: {  	s1 =	sld [smem:$0x3F97];
	s0 =	simm.s32 @p0 $0x1  }
0x13: {  	[smem:$0x3FB2] =	sst s0;
	s0 =	simm.s32 @!p1 $0x0  }
0x14: {  	s2 =	sld [smem:$0x3F96];
	s0 =	simm.s32 @p1 $0x1  }
0x15: {  	[smem:$0x3FB3] =	sst s0;
	s0 =	simm.s32 @!p2 $0x0  }
0x16: {  	s3 =	sld [smem:$0x3FDB];
	s0 =	simm.s32 @p2 $0x1  }
0x17: {  	s4 =	simm.s32 $0x1BF5;
	[smem:$0x3FB5] =	sst s0  }
0x18: {  	s0 =	sld [smem:$0x3F98];
	_ =	swait.ge [sflag:s4], $0x0  }
0x19: {  	s7 =	sld [smem:$0x3F99]  }
0x1a: {  	s8 =	sadd.s32 $0xFFFFE003, lr  }
0x1b: {  	s9 =	sadd.s32 $0xFFFFFEF7, lr;
	s5 =	simm.s32 $0xFFFFFFFF;
	p2 =	slt.u32 s8, $0xFFFFF086  }
0x1c: {  	p1 =	slt.u32 s9, $0xF7A;
	s5 =	simm.s32 @!p2 $0x0  }
0x1d: {  	s5 =	simm.s32 @p1 $0x1;
	p0 =	seq.s32 s7, s2  }
0x1e: {  	s7 =	smul.u32 @!p0 $0xF7A, s2;
	p2 =	seq.s32 @!p0 s5, $0x0  }
0x1f: {  	s9 =	smul.u32 $0xF7A, s1;
	s8 =	simm.s32 @!p0 $0x1BF5;
	p2 =	por !p2, p0  }
0x20: {  	[sflag:s8] =	ssyncset.s32 @!p0 $0xFFFFF086;
	s6 =	sadd.s32 @!p0 s3, s7;
	s7 =	simm.s32 @!p0 $0x108  }
0x21: {  	s3 =	sadd.s32 s3, s9;
	s6 =	sadd.s32 @!p0 $0x88, s6;
	s7 =	simm.s32 @p2 $0x1082  }
0x22: {  	[simem:s7], [sflag:s8] =	dma.local @!p0 [hbm:s6], $0xF7A  }
0x23: {  	s9 =	sor.u32 $0xD0000000, s2;
	s6 =	simm.s32 $0x108;
	_ =	swait.ge @!p0 [sflag:s8], $0x0  }
0x24: {  	s3 =	sadd.s32 $0x88, s3;
	s6 =	simm.s32 @!p1 $0x1082;
	[sflag:s4] =	ssyncset.s32 $0xFFFFF086  }
0x25: {  	[simem:s6], [sflag:s4] =	dma.local [hbm:s3], $0xF7A  }
0x26: {  	[smem:$0x3F99] =	sst s1;
	(tag) =	ssettag s2;
	_ =	strace s9  }
0x27: {  	s1 =	sld [smem:$0x3FA9]  }
0x28: {  	s2 =	sld [smem:$0x3FAA]  }
0x29: {  	s4 =	sld [smem:$0x3FAC]  }
0x2a: {  	p0 =	seq.s32 s5, $0x0;
	s5 =	sld [smem:$0x3FAD]  }
0x2b: {  	s6 =	sld [smem:$0x3FAE]  }
0x2c: {  	s7 =	sld [smem:$0x3FAF]  }
0x2d: {  	s3 =	simm.s32 $0x108;
	s8 =	sld [smem:$0x3FB0]  }
0x2e: {  	s3 =	simm.s32 @!p0 $0x1082;
	s9 =	sld [smem:$0x3FB1]  }
0x2f: {  	lr =	sadd.s32 s0, s3;
	s0 =	sld [smem:$0x3FA8]  }
0x30: {  	s3 =	sld [smem:$0x3FAB]  }
0x31: {  	[smem:$0x3FB4] =	sst s10  }
0x32: {  	s10 =	sld [smem:$0x3FB2];
	_ =	sdelay $0x3  }
0x33: {  	p0 =	seq.s32 s10, $0x1;
	s10 =	sld [smem:$0x3FB4];
	_ =	sdelay $0x3  }
0x34: {  	[smem:$0x3FB4] =	sst s10  }
0x35: {  	s10 =	sld [smem:$0x3FB3];
	_ =	sdelay $0x3  }
0x36: {  	p1 =	seq.s32 s10, $0x1;
	s10 =	sld [smem:$0x3FB4];
	_ =	sdelay $0x3  }
0x37: {  	[smem:$0x3FB4] =	sst s10  }
0x38: {  	s10 =	sld [smem:$0x3FB5]  }
0x39: {  	_ = 	snop;
	(pc) =	sbr.ind lr, $3  }
0x3a: {  	_ = 	snop  }
0x3b: {  	_ = 	snop  }
0x3c: {  	p2 =	seq.s32 s10, $0x1;
	s10 =	sld [smem:$0x3FB4]  }
0x3d: {  	_ =	shalt  }
0x3e: {  	_ =	shalt  }
0x3f: {  	_ =	shalt  }
0x40: {  	_ =	shalt  }
0x41: {  	_ =	shalt  }
0x42: {  	_ =	shalt  }
0x43: {  	_ =	shalt  }
0x44: {  	_ =	shalt  }
0x45: {  	_ =	shalt  }
0x46: {  	_ =	shalt  }
0x47: {  	_ =	shalt  }
0x48: {  	_ =	shalt  }
0x49: {  	_ =	shalt  }
0x4a: {  	_ =	shalt  }
0x4b: {  	_ =	shalt  }
0x4c: {  	_ =	shalt  }
0x4d: {  	_ =	shalt  }
0x4e: {  	_ =	shalt  }
0x4f: {  	_ =	shalt  }
0x50: {  	_ =	shalt  }
0x51: {  	_ =	shalt  }
0x52: {  	_ =	shalt  }
0x53: {  	_ =	shalt  }
0x54: {  	_ =	shalt  }
0x55: {  	_ =	shalt  }
0x56: {  	_ =	shalt  }
0x57: {  	_ =	shalt  }
0x58: {  	_ =	shalt  }
0x59: {  	_ =	shalt  }
0x5a: {  	_ =	shalt  }
0x5b: {  	_ =	shalt  }
0x5c: {  	_ =	shalt  }
0x5d: {  	_ =	shalt  }
0x5e: {  	_ =	shalt  }
0x5f: {  	_ =	shalt  }
0x60: {  	_ =	shalt  }
0x61: {  	_ =	shalt  }
0x62: {  	_ =	shalt  }
0x63: {  	_ =	shalt  }
0x64: {  	_ =	shalt  }
0x65: {  	_ =	shalt  }
0x66: {  	_ =	shalt  }
0x67: {  	_ =	shalt  }
0x68: {  	_ =	shalt  }
0x69: {  	_ =	shalt  }
0x6a: {  	_ =	shalt  }
0x6b: {  	_ =	shalt  }
0x6c: {  	_ =	shalt  }
0x6d: {  	_ =	shalt  }
0x6e: {  	_ =	shalt  }
0x6f: {  	_ =	shalt  }
0x70: {  	_ =	shalt  }
0x71: {  	_ =	shalt  }
0x72: {  	_ =	shalt  }
0x73: {  	_ =	shalt  }
0x74: {  	_ =	shalt  }
0x75: {  	_ =	shalt  }
0x76: {  	_ =	shalt  }
0x77: {  	_ =	shalt  }
0x78: {  	_ =	shalt  }
0x79: {  	_ =	shalt  }
0x7a: {  	_ =	shalt  }
0x7b: {  	_ =	shalt  }
0x7c: {  	_ =	shalt  }
0x7d: {  	_ =	shalt  }
0x7e: {  	_ =	shalt  }
0x7f: {  	_ =	shalt  }
0x80: {  	_ =	shalt  }
0x81: {  	_ =	shalt  }
0x82: {  	_ =	shalt  }
0x83: {  	_ =	shalt  }
0x84: {  	_ =	shalt  }
0x85: {  	_ =	shalt  }
0x86: {  	_ =	shalt  }
0x87: {  	_ =	shalt  }
.Lfunc_end0:
.L_simem_size_0:
called_computation.2_lowered:
.L_overlay_start_0:
0x88: {  	s2 =	sld [smem:$0x3FD9]  }
0x89: {  	s3 =	sld [smem:$0x3FFE];
	_ =	sdelay $0x1  }
0x8a: {  	s1 =	srdreg.scid  }
0x8b: {  	s0 =	sand.u32 $0x1, s1  }
0x8c: {  	s14 =	sshll.u32 s0, $0xA;
	s2 =	sadd.s32 s3, s2  }
0x8d: {  	s2 =	sadd.s32 s2, s14  }
0x8e: {  	[smem:$0x3FC0] =	sst s2  }
0x8f: {  	_ = 	snop  }
0x90: {  	s2 =	sld [smem:$0x3FD0];
	_ =	sdelay $0x2  }
0x91: {  	s15 =	simm.s32 $0xA;
	s4 =	simm.s32 $0x10  }
0x92: {  	[smem:s4], [sflag:s15] =	dma.local [hbm:s2], $0x1  }
0x93: {  	_ =	swait.eq [sflag:s15], $0x1  }
0x94: {  	[sflag:s15] =	ssyncset.done $0x0  }
0x95: {  	[sflag:s15] =	ssyncadd.s32 $0xFFFFFFFF  }
0x96: {  	s16 =	sld [smem:$0x11];
	(tm) =	ssettm $0x1  }
0x97: {  	s17 =	sld [smem:$0x3FFB];
	_ =	sdelay $0x3  }
0x98: {  	_ =	strace s17  }
0x99: {  	s3 =	sld [smem:$0x3FFC];
	_ =	sdelay $0x3  }
0x9a: {  	_ =	strace s3  }
0x9b: {  	s3 =	sld [smem:$0x3FFD];
	_ =	sdelay $0x3  }
0x9c: {  	_ =	strace s3  }
0x9d: {  	_ =	strace $0x8FFFFFFF  }
0x9e: {  	s18 =	sld [smem:$0x3FDB];
	_ =	sdelay $0x1  }
0x9f: {  	s19 =	simm.s32 $_scs_section_size  }
0xa0: {  	s5 =	simm.s32 $_size__tile_overlayer_lowered;
	s6 =	simm.s32 $_tile_overlayer_lowered  }
0xa1: {  	s22 =	simm.s32 $0x1BFF;
	s21 =	sshll.u32 s6, $0x1;
	s3 =	sadd.s32 s19, s18  }
0xa2: {  	s7 =	simm.s32 $0x0;
	s20 =	sshll.u32 s5, $0x1;
	s5 =	sadd.s32 s21, s3  }
0xa3: {  	[timem:s7], [sflag:s22] =	dma.local [hbm:s5], s20  }
0xa4: {  	_ =	swait.ge [sflag:s22], s20  }
0xa5: {  	s4 =	ssub.s32 $0x0, s20;
	[sflag:s22] =	ssyncset.done $0x0  }
0xa6: {  	[sflag:s22] =	ssyncadd.s32 s4;
	_ =	sdelay $0x1  }
0xa7: {  	s23 =	simm.s32 $0x1B8B  }
0xa8: {  	_ =	swait.ge [sflag:s23], $0x1  }
0xa9: {  	[sflag:s23] =	ssyncset.done $0x0  }
0xaa: {  	s25 =	simm.s32 $0x1B8E;
	s24 =	sld [smem:$0x3FFE];
	[sflag:s23] =	ssyncadd.s32 $0xFFFFFFFF  }
0xab: {  	s26 =	simm.s32 $execute0_lowered;
	[smem:$0x3FD2] =	sst s25  }
0xac: {  	s5 =	sshll.u32 s26, $0x1;
	_ =	strace $0x8000004C;
	[dreg:$0x1] =	wrdreg $0xFFFFFFFF  }
0xad: {  	s28 =	simm.s32 $_size_execute0_lowered;
	s3 =	sadd.s32 s3, s5;
	[dreg:$0x0] =	wrdreg $0x0  }
0xae: {  	s5 =	sshll.u32 s28, $0x1;
	[dreg:$0x2] =	wrdreg s3  }
0xaf: {  	[dreg:$0x3] =	wrdreg s5  }
0xb0: {  	[dreg:$0x4] =	wrdreg $0xC0  }
0xb1: {  	_ =	task [dreg:s7], $0x5FFFF  }
0xb2: {  	[dreg:$0x1] =	wrdreg $0xFFFFFFFF  }
0xb3: {  	[dreg:$0x0] =	wrdreg $0x60  }
0xb4: {  	[dreg:$0x2] =	wrdreg s16  }
0xb5: {  	[dreg:$0x3] =	wrdreg s24  }
0xb6: {  	[dreg:$0x4] =	wrdreg $0x90000  }
0xb7: {  	[dreg:$0x5] =	wrdreg $0x9  }
0xb8: {  	_ =	task.clear_ibuf [dreg:s7], $0x6FFFF;
	_ =	strace $0x9000004C  }
0xb9: {  	s29 =	simm.s32 $0x9;
	_ =	strace $0x8000004E  }
0xba: {  	_ =	swait.ge [sflag:s29], $0x1  }
0xbb: {  	[sflag:s29] =	ssyncadd.s32 $0xFFFFFFFF  }
0xbc: {  	_ =	strace $0x9000004E  }
0xbd: {  	_ =	sfence  }
0xbe: {  	s30 =	sld [smem:$0x0];
	_ =	sdelay $0x2  }
0xbf: {  	s31 =	sshll.u32 s1, $0xD;
	s1 =	sshrl.u32 s1, $0x2  }
0xc0: {  	s3 =	sand.u32 $0x4000, s31;
	s1 =	sadd.s32 s1, s30  }
0xc1: {  	s0 =	sor.u32 s3, s0;
	s1 =	sshll.u32 s1, $0x11  }
0xc2: {  	s0 =	sor.u32 s1, s0  }
0xc3: {  	s0 =	sadd.s32 $0x8F2B, s0  }
0xc4: {  	[sflag:s0] =	ssyncadd.remote.s32 $0x1  }
0xc5: {  	_ =	sfence.sel $0xFFFF  }
0xc6: {  	[dreg:$0x0] =	wrdreg $0xFFFFFFFF;
	(pc) =	sbr.abs _section_cstart, $3  }
0xc7: {  	[dreg:$0x1] =	wrdreg $0xFFFFFFFF  }
0xc8: {  	_ =	task.clear_ibuf [dreg:s7], $0x2FFFF;
	_ =	strace $0x9FFFFFFF  }
0xc9: {  	(tm) =	ssettm $0x7FFFFFFF  }
tec
execute0_lowered:
.L_overlay_start_1:
0x0: {  	(tag) =	ssettag $0x1  }
0x1: {  	s10 =	rddreg [dreg:$0x0]  }
0x2: {  	s1 =	srdreg.scid;
	s6 =	rddreg [dreg:$0x1]  }
0x3: {  	s0 =	stileid.u32;
	s2 =	rddreg [dreg:$0x2];
	s3 =	simm.s32 $0x0  }
0x4: {  	s15 =	simm.s32 $0x2;
	s16 =	simm.s32 $0x2800;
	s17 =	simm.s32 $0x80  }
0x5: {  	s18 =	simm.s32 $0x1;
	s5 =	sand.u32 $0x1, s1;
	s8 =	smul.u32 $0x14000, s0  }
0x6: {  	s28 =	sshll.u32 s0, $0x1;
	[smem:$0x7FF] =	sst s3;
	s9 =	smul.u32 $0x50000, s0  }
0x7: {  	s4 =	sadd.s32 $0xC200, s6;
	s19 =	sshll.u32 s0, $0x6;
	s1 =	sor.u32 s5, s28  }
0x8: {  	s7 =	smul.u32 $0x140000, s5;
	s29 =	ssub.s32 $0x2, s5;
	s19 =	sor.u32 $0x1C02, s19  }
0x9: {  	s11 =	smul.u32 $0x500, s1;
	s1 =	rddreg [dreg:$0x3];
	_ =	strace $0x8000004D  }
0xa: {  	s30 =	sshrl.u32 s9, $0x2;
	s31 =	sshrl.u32 s29, $0x1;
	s7 =	sadd.s32 s8, s7  }
0xb: {  	s5 =	sadd.s32 s30, s2;
	s14 =	ssub.s32 s29, s31;
	s12 =	sadd.s32 s11, s6  }
0xc: {  	s7 =	sshrl.u32 s7, $0x3;
	s8 =	sadd.s32 $0xC000, s5;
	s9 =	sadd.s32 $0x10000, s5  }
0xd: {  	s10 =	sadd.s32 s10, s11;
	s20 =	sshrl.u32 s5, $0x3;
	s13 =	sadd.s32 s7, s6  }
0xe: {  	s6 =	sadd.s32 $0x4000, s5;
	s7 =	sadd.s32 $0x8000, s5;
	s11 =	sadd.s32 $0x2200, s12  }
0xf: {  	v0 =	vimm.f32 $0.0e+00;
	s12 =	sadd.s32 $0x34200, s13;
	s13 =	smax.u32 s14, $0x1;
	s14 =	simm.s32 $0x5000  }
.LBB2_1:
0x10: {  	s21 =	simm.s32 $0x0;
	s22 =	simm.s32 $0x200  }
.LBB2_2:
0x11: {  	p0 =	sne.s32 s22, $0xFE00;
	[tilespmem:s21+$0x5070] =	vst v0  }
0x12: {  	[tilespmem:s21+$0x5000] =	vst v0  }
0x13: {  	[tilespmem:s21+$0x5010] =	vst v0  }
.Ltmp0:
0x14: {  	[tilespmem:s21+$0x5020] =	vst v0;
	(pc) =	sbr.rel @p0 .LBB2_2-.Ltmp0, $4  }
0x15: {  	[tilespmem:s21+$0x5030] =	vst v0  }
0x16: {  	[tilespmem:s21+$0x5040] =	vst v0  }
0x17: {  	[tilespmem:s21+$0x5050] =	vst v0  }
0x18: {  	[tilespmem:s21+$0x5060] =	vst v0;
	s21 =	sshra.s32 s22, $0x2;
	s22 =	sadd.s32 $0x200, s22  }
0x19: {  	[tilespmem:s21+$0x5070] =	vst v0  }
0x1a: {  	[tilespmem:s21+$0x5000] =	vst v0  }
0x1b: {  	[tilespmem:s21+$0x5010] =	vst v0  }
0x1c: {  	[tilespmem:s21+$0x5020] =	vst v0  }
0x1d: {  	[tilespmem:s21+$0x5030] =	vst v0  }
0x1e: {  	[tilespmem:s21+$0x5040] =	vst v0  }
0x1f: {  	[tilespmem:s21+$0x5050] =	vst v0  }
0x20: {  	[tilespmem:s21+$0x5060] =	vst v0  }
0x21: {  	[spmem:s5] =	stream.linear.scatter [tilespmem:s14], [sflag:$0x2], $0x4000, $0x38;
	[tilespmem:$0x1D000] =	vst v63  }
0x22: {  	_ =	swait.ge [sflag:s15], $0x4000  }
0x23: {  	[sflag:s15] =	ssyncset.done $0x0  }
0x24: {  	[sflag:s15] =	ssyncadd.s32 $0xFFFFC000  }
0x25: {  	[spmem:s6] =	stream.linear.scatter [tilespmem:s14], [sflag:$0x2], $0x4000, $0x38;
	[tilespmem:$0x1D000] =	vst v63  }
0x26: {  	_ =	swait.ge [sflag:s15], $0x4000  }
0x27: {  	[sflag:s15] =	ssyncset.done $0x0  }
0x28: {  	[sflag:s15] =	ssyncadd.s32 $0xFFFFC000  }
0x29: {  	[spmem:s7] =	stream.linear.scatter [tilespmem:s14], [sflag:$0x2], $0x4000, $0x38;
	[tilespmem:$0x1D000] =	vst v63  }
0x2a: {  	_ =	swait.ge [sflag:s15], $0x4000  }
0x2b: {  	[sflag:s15] =	ssyncset.done $0x0  }
0x2c: {  	[sflag:s15] =	ssyncadd.s32 $0xFFFFC000  }
0x2d: {  	[spmem:s8] =	stream.linear.scatter [tilespmem:s14], [sflag:$0x2], $0x4000, $0x38;
	[tilespmem:$0x1D000] =	vst v63  }
0x2e: {  	_ =	swait.ge [sflag:s15], $0x4000  }
0x2f: {  	[sflag:s15] =	ssyncset.done $0x0  }
0x30: {  	[sflag:s15] =	ssyncadd.s32 $0xFFFFC000  }
0x31: {  	[spmem:s9] =	stream.linear.scatter [tilespmem:s14], [sflag:$0x2], $0x4000, $0x38;
	[tilespmem:$0x1D000] =	vst v63  }
0x32: {  	_ =	swait.ge [sflag:s15], $0x4000  }
0x33: {  	[sflag:s15] =	ssyncset.done $0x0  }
0x34: {  	[sflag:s15] =	ssyncadd.s32 $0xFFFFC000  }
0x35: {  	s29 =	simm.s32 $0x0;
	[bflag:$0x0] =	sbarrier.arrive $0xFFFF  }
0x36: {  	[tilespmem:s29], [sflag:$0x2] =	stream.linear.gather [hbm4b:s10+s29], $0x2780, $0x38;
	[tilespmem:$0x1D000] =	vst v63  }
0x37: {  	_ =	swait.ge [sflag:s15], $0x2780  }
0x38: {  	[sflag:s15] =	ssyncset.done $0x0  }
0x39: {  	[sflag:s15] =	ssyncadd.s32 $0xFFFFD880  }
0x3a: {  	[tilespmem:s16], [sflag:$0x2] =	stream.linear.gather [hbm4b:s11+s29], $0x2780, $0x38;
	[tilespmem:$0x1D000] =	vst v63  }
0x3b: {  	_ =	swait.ge [sflag:s15], $0x2780  }
0x3c: {  	[sflag:s15] =	ssyncset.done $0x0  }
0x3d: {  	s30 =	simm.s32 $0x0;
	[sflag:s15] =	ssyncadd.s32 $0xFFFFD880  }
0x3e: {  	[tilespmem:s14], [sflag:$0x1] =	stream.indirect.gather [hbm4b:s4+s17], $0x80, s30, s17, $0xb8;
	[tilespmem:$0x1D000] =	vst v63  }
0x3f: {  	_ =	swait.ge [sflag:s18], $0x4000  }
0x40: {  	[sflag:s18] =	ssyncset.done $0x0  }
0x41: {  	s31 =	simm.s32 $0x2800;
	[sflag:s18] =	ssyncadd.s32 $0xFFFFC000  }
0x42: {  	[spmem:s2] =	stream.indirect.scatter.add.f32 [tilespmem:s14], [sflag:$0x2], $0x80, s31, s17, $0xb8;
	[tilespmem:$0x1D000] =	vst v63  }
0x43: {  	_ =	swait.ge [sflag:s15], $0x4000  }
0x44: {  	s21 =	simm.s32 $0x200;
	s22 =	simm.s32 $0x400;
	[sflag:s15] =	ssyncset.done $0x0  }
.LBB2_4:
0x45: {  	s23 =	sshra.s32 s21, $0x2  }
0x46: {  	[sflag:s15] =	ssyncadd.s32 $0xFFFFC000;
	s21 =	smov.u32 s22;
	s24 =	sadd.s32 $0x200, s22  }
0x47: {  	[tilespmem:s14], [sflag:$0x1] =	stream.indirect.gather [hbm4b:s4+s17], $0x80, s23, s17, $0xb8;
	[tilespmem:$0x1D000] =	vst v63  }
0x48: {  	p0 =	sne.s32 s22, $0x9C00;
	_ =	swait.ge [sflag:s18], $0x4000  }
.Ltmp1:
0x49: {  	[sflag:s18] =	ssyncset.done $0x0;
	(pc) =	sbr.rel @p0 .LBB2_4-.Ltmp1, $4  }
0x4a: {  	s22 =	sadd.s32 $0x2800, s23;
	[sflag:s18] =	ssyncadd.s32 $0xFFFFC000  }
0x4b: {  	[spmem:s2] =	stream.indirect.scatter.add.f32 [tilespmem:s14], [sflag:$0x2], $0x80, s22, s17, $0xb8;
	[tilespmem:$0x1D000] =	vst v63  }
0x4c: {  	_ =	swait.ge [sflag:s15], $0x4000  }
0x4d: {  	s22 =	smov.u32 s24;
	[sflag:s15] =	ssyncset.done $0x0  }
0x4e: {  	s21 =	sshra.s32 s21, $0x2;
	[sflag:s15] =	ssyncadd.s32 $0xFFFFC000  }
0x4f: {  	[tilespmem:s14], [sflag:$0x1] =	stream.indirect.gather [hbm4b:s4+s17], $0x80, s21, s17, $0xb8;
	[tilespmem:$0x1D000] =	vst v63  }
0x50: {  	_ =	swait.ge [sflag:s18], $0x4000  }
0x51: {  	[sflag:s18] =	ssyncset.done $0x0  }
0x52: {  	s21 =	sadd.s32 $0x2800, s21;
	[sflag:s18] =	ssyncadd.s32 $0xFFFFC000  }
0x53: {  	[spmem:s2] =	stream.indirect.scatter.add.f32 [tilespmem:s14], [sflag:$0x2], $0x80, s21, s17, $0xb8;
	[tilespmem:$0x1D000] =	vst v63  }
0x54: {  	_ =	swait.ge [sflag:s15], $0x4000  }
0x55: {  	s3 =	sadd.s32 $0x1, s3;
	[sflag:s15] =	ssyncset.done $0x0  }
0x56: {  	p0 =	sne.s32 s3, s13;
	[sflag:s15] =	ssyncadd.s32 $0xFFFFC000  }
.Ltmp2:
0x57: {  	[bflag:$0x0] =	sbarrier.arrive $0xFFFF;
	(pc) =	sbr.rel @p0 .LBB2_1-.Ltmp2, $4  }
0x58: {  	[hbm:s12], [sflag:s19] =	dma.local [spmem:s20], $0x2800  }
0x59: {  	_ =	swait.ge [sflag:s15], $0x2800  }
0x5a: {  	[sflag:s15] =	ssyncset.done $0x0  }
0x5b: {  	[sflag:s15] =	ssyncadd.s32 $0xFFFFD800  }
0x5c: {  	_ =	sfence.sel $0x180000  }
0x5d: {  	[bflag:$0x0] =	sbarrier.arrive $0xFFFF  }
0x5e: {  	p0 =	sne.s32 s0, $0x0;
	_ =	strace $0x9000004D  }
0x5f: {  	s0 =	sadd.s32 @!p0 $0x100000, s1;
	[bflag:$0x2] =	sbarrier.arrive $0xFFFF  }
0x60: {  	[sflag:s0] =	ssyncadd.tile.s32 @!p0 $0x1;
	_ =	shalt  }
.Lfunc_end2:
_tile_overlayer_lowered:
.L_overlay_start_2:
0x61: {  	(tag) =	ssettag $0x2  }
0x62: {  	s0 =	rddreg [dreg:$0x0];
	s2 =	stileid.u32  }
0x63: {  	s1 =	rddreg [dreg:$0x1];
	p0 =	sne.s32 s2, $0x0  }
0x64: {  	s3 =	rddreg [dreg:$0x2];
	[bflag:$0x3] =	sbarrier.arrive $0xFFFF;
	s2 =	simm.s32 @!p0 $0x1C02  }
0x65: {  	[timem:s3], [sflag:s2] =	dma.local @!p0 [hbm:s0], s1  }
0x66: {  	s0 =	simm.s32 @!p0 $0x2  }
0x67: {  	_ =	swait.ge @!p0 [sflag:s0], s1  }
0x68: {  	s1 =	ssub.s32 @!p0 $0x0, s1;
	[sflag:s0] =	ssyncset.done @!p0 $0x0  }
0x69: {  	[sflag:s0] =	ssyncadd.s32 @!p0 s1  }
0x6a: {  	[bflag:$0x3] =	sbarrier.arrive $0xFFFF  }
0x6b: {  	_ =	shalt  }

// kernel: kernel.9.cloned.1.call-start
scs
__scs_entry_jumppad:
0x0: {  	(pc) =	sbr.rel $0x88, $3  }
0x1: {  	(tag) =	ssettag $0x0;
	lr =	simm.s32 $0x1  }
0x2: {  	[smem:$0x3F99] =	sst lr;
	_ =	strace $0xD0000000  }
0x3: {  	_ = 	snop  }
0x4: {  	_ = 	snop  }
0x5: {  	_ = 	snop  }
0x6: {  	_ = 	snop  }
0x7: {  	_ = 	snop  }
__scs_overlays_trampoline_lowered:
0x8: {  	[smem:$0x3FA8] =	sst s0  }
0x9: {  	[smem:$0x3FA9] =	sst s1  }
0xa: {  	[smem:$0x3FAA] =	sst s2  }
0xb: {  	[smem:$0x3FAB] =	sst s3  }
0xc: {  	[smem:$0x3FAC] =	sst s4  }
0xd: {  	[smem:$0x3FAD] =	sst s5  }
0xe: {  	[smem:$0x3FAE] =	sst s6  }
0xf: {  	[smem:$0x3FAF] =	sst s7  }
0x10: {  	[smem:$0x3FB0] =	sst s8  }
0x11: {  	[smem:$0x3FB1] =	sst s9;
	s0 =	simm.s32 @!p0 $0x0  }
0x12: {  	s1 =	sld [smem:$0x3F97];
	s0 =	simm.s32 @p0 $0x1  }
0x13: {  	[smem:$0x3FB2] =	sst s0;
	s0 =	simm.s32 @!p1 $0x0  }
0x14: {  	s2 =	sld [smem:$0x3F96];
	s0 =	simm.s32 @p1 $0x1  }
0x15: {  	[smem:$0x3FB3] =	sst s0;
	s0 =	simm.s32 @!p2 $0x0  }
0x16: {  	s3 =	sld [smem:$0x3FDB];
	s0 =	simm.s32 @p2 $0x1  }
0x17: {  	s4 =	simm.s32 $0x1BF5;
	[smem:$0x3FB5] =	sst s0  }
0x18: {  	s0 =	sld [smem:$0x3F98];
	_ =	swait.ge [sflag:s4], $0x0  }
0x19: {  	s7 =	sld [smem:$0x3F99]  }
0x1a: {  	s8 =	sadd.s32 $0xFFFFE003, lr  }
0x1b: {  	s9 =	sadd.s32 $0xFFFFFEF7, lr;
	s5 =	simm.s32 $0xFFFFFFFF;
	p2 =	slt.u32 s8, $0xFFFFF086  }
0x1c: {  	p1 =	slt.u32 s9, $0xF7A;
	s5 =	simm.s32 @!p2 $0x0  }
0x1d: {  	s5 =	simm.s32 @p1 $0x1;
	p0 =	seq.s32 s7, s2  }
0x1e: {  	s7 =	smul.u32 @!p0 $0xF7A, s2;
	p2 =	seq.s32 @!p0 s5, $0x0  }
0x1f: {  	s9 =	smul.u32 $0xF7A, s1;
	s8 =	simm.s32 @!p0 $0x1BF5;
	p2 =	por !p2, p0  }
0x20: {  	[sflag:s8] =	ssyncset.s32 @!p0 $0xFFFFF086;
	s6 =	sadd.s32 @!p0 s3, s7;
	s7 =	simm.s32 @!p0 $0x108  }
0x21: {  	s3 =	sadd.s32 s3, s9;
	s6 =	sadd.s32 @!p0 $0x88, s6;
	s7 =	simm.s32 @p2 $0x1082  }
0x22: {  	[simem:s7], [sflag:s8] =	dma.local @!p0 [hbm:s6], $0xF7A  }
0x23: {  	s9 =	sor.u32 $0xD0000000, s2;
	s6 =	simm.s32 $0x108;
	_ =	swait.ge @!p0 [sflag:s8], $0x0  }
0x24: {  	s3 =	sadd.s32 $0x88, s3;
	s6 =	simm.s32 @!p1 $0x1082;
	[sflag:s4] =	ssyncset.s32 $0xFFFFF086  }
0x25: {  	[simem:s6], [sflag:s4] =	dma.local [hbm:s3], $0xF7A  }
0x26: {  	[smem:$0x3F99] =	sst s1;
	(tag) =	ssettag s2;
	_ =	strace s9  }
0x27: {  	s1 =	sld [smem:$0x3FA9]  }
0x28: {  	s2 =	sld [smem:$0x3FAA]  }
0x29: {  	s4 =	sld [smem:$0x3FAC]  }
0x2a: {  	p0 =	seq.s32 s5, $0x0;
	s5 =	sld [smem:$0x3FAD]  }
0x2b: {  	s6 =	sld [smem:$0x3FAE]  }
0x2c: {  	s7 =	sld [smem:$0x3FAF]  }
0x2d: {  	s3 =	simm.s32 $0x108;
	s8 =	sld [smem:$0x3FB0]  }
0x2e: {  	s3 =	simm.s32 @!p0 $0x1082;
	s9 =	sld [smem:$0x3FB1]  }
0x2f: {  	lr =	sadd.s32 s0, s3;
	s0 =	sld [smem:$0x3FA8]  }
0x30: {  	s3 =	sld [smem:$0x3FAB]  }
0x31: {  	[smem:$0x3FB4] =	sst s10  }
0x32: {  	s10 =	sld [smem:$0x3FB2];
	_ =	sdelay $0x3  }
0x33: {  	p0 =	seq.s32 s10, $0x1;
	s10 =	sld [smem:$0x3FB4];
	_ =	sdelay $0x3  }
0x34: {  	[smem:$0x3FB4] =	sst s10  }
0x35: {  	s10 =	sld [smem:$0x3FB3];
	_ =	sdelay $0x3  }
0x36: {  	p1 =	seq.s32 s10, $0x1;
	s10 =	sld [smem:$0x3FB4];
	_ =	sdelay $0x3  }
0x37: {  	[smem:$0x3FB4] =	sst s10  }
0x38: {  	s10 =	sld [smem:$0x3FB5]  }
0x39: {  	_ = 	snop;
	(pc) =	sbr.ind lr, $3  }
0x3a: {  	_ = 	snop  }
0x3b: {  	_ = 	snop  }
0x3c: {  	p2 =	seq.s32 s10, $0x1;
	s10 =	sld [smem:$0x3FB4]  }
0x3d: {  	_ =	shalt  }
0x3e: {  	_ =	shalt  }
0x3f: {  	_ =	shalt  }
0x40: {  	_ =	shalt  }
0x41: {  	_ =	shalt  }
0x42: {  	_ =	shalt  }
0x43: {  	_ =	shalt  }
0x44: {  	_ =	shalt  }
0x45: {  	_ =	shalt  }
0x46: {  	_ =	shalt  }
0x47: {  	_ =	shalt  }
0x48: {  	_ =	shalt  }
0x49: {  	_ =	shalt  }
0x4a: {  	_ =	shalt  }
0x4b: {  	_ =	shalt  }
0x4c: {  	_ =	shalt  }
0x4d: {  	_ =	shalt  }
0x4e: {  	_ =	shalt  }
0x4f: {  	_ =	shalt  }
0x50: {  	_ =	shalt  }
0x51: {  	_ =	shalt  }
0x52: {  	_ =	shalt  }
0x53: {  	_ =	shalt  }
0x54: {  	_ =	shalt  }
0x55: {  	_ =	shalt  }
0x56: {  	_ =	shalt  }
0x57: {  	_ =	shalt  }
0x58: {  	_ =	shalt  }
0x59: {  	_ =	shalt  }
0x5a: {  	_ =	shalt  }
0x5b: {  	_ =	shalt  }
0x5c: {  	_ =	shalt  }
0x5d: {  	_ =	shalt  }
0x5e: {  	_ =	shalt  }
0x5f: {  	_ =	shalt  }
0x60: {  	_ =	shalt  }
0x61: {  	_ =	shalt  }
0x62: {  	_ =	shalt  }
0x63: {  	_ =	shalt  }
0x64: {  	_ =	shalt  }
0x65: {  	_ =	shalt  }
0x66: {  	_ =	shalt  }
0x67: {  	_ =	shalt  }
0x68: {  	_ =	shalt  }
0x69: {  	_ =	shalt  }
0x6a: {  	_ =	shalt  }
0x6b: {  	_ =	shalt  }
0x6c: {  	_ =	shalt  }
0x6d: {  	_ =	shalt  }
0x6e: {  	_ =	shalt  }
0x6f: {  	_ =	shalt  }
0x70: {  	_ =	shalt  }
0x71: {  	_ =	shalt  }
0x72: {  	_ =	shalt  }
0x73: {  	_ =	shalt  }
0x74: {  	_ =	shalt  }
0x75: {  	_ =	shalt  }
0x76: {  	_ =	shalt  }
0x77: {  	_ =	shalt  }
0x78: {  	_ =	shalt  }
0x79: {  	_ =	shalt  }
0x7a: {  	_ =	shalt  }
0x7b: {  	_ =	shalt  }
0x7c: {  	_ =	shalt  }
0x7d: {  	_ =	shalt  }
0x7e: {  	_ =	shalt  }
0x7f: {  	_ =	shalt  }
0x80: {  	_ =	shalt  }
0x81: {  	_ =	shalt  }
0x82: {  	_ =	shalt  }
0x83: {  	_ =	shalt  }
0x84: {  	_ =	shalt  }
0x85: {  	_ =	shalt  }
0x86: {  	_ =	shalt  }
0x87: {  	_ =	shalt  }
.Lfunc_end0:
.L_simem_size_0:
called_computation_lowered:
.L_overlay_start_0:
0x88: {  	s2 =	sld [smem:$0x3FD9]  }
0x89: {  	s3 =	sld [smem:$0x3FFE];
	_ =	sdelay $0x1  }
0x8a: {  	s1 =	srdreg.scid  }
0x8b: {  	s0 =	sand.u32 $0x1, s1  }
0x8c: {  	s16 =	sshll.u32 s0, $0xA;
	s2 =	sadd.s32 s3, s2  }
0x8d: {  	s2 =	sadd.s32 s2, s16  }
0x8e: {  	[smem:$0x3FC0] =	sst s2  }
0x8f: {  	_ = 	snop  }
0x90: {  	(tm) =	ssettm $0x1  }
0x91: {  	s17 =	sld [smem:$0x3FFB];
	_ =	sdelay $0x3  }
0x92: {  	_ =	strace s17  }
0x93: {  	s2 =	sld [smem:$0x3FFC];
	_ =	sdelay $0x3  }
0x94: {  	_ =	strace s2  }
0x95: {  	s2 =	sld [smem:$0x3FFD];
	_ =	sdelay $0x3  }
0x96: {  	_ =	strace s2  }
0x97: {  	_ =	strace $0x8FFFFFFF  }
0x98: {  	s18 =	sld [smem:$0x3FDB];
	_ =	sdelay $0x1  }
0x99: {  	s19 =	simm.s32 $_scs_section_size  }
0x9a: {  	s4 =	simm.s32 $_size__tile_overlayer_lowered;
	s5 =	simm.s32 $_tile_overlayer_lowered  }
0x9b: {  	s22 =	simm.s32 $0x1BFF;
	s21 =	sshll.u32 s5, $0x1;
	s2 =	sadd.s32 s19, s18  }
0x9c: {  	s6 =	simm.s32 $0x0;
	s20 =	sshll.u32 s4, $0x1;
	s4 =	sadd.s32 s21, s2  }
0x9d: {  	[timem:s6], [sflag:s22] =	dma.local [hbm:s4], s20  }
0x9e: {  	_ =	swait.ge [sflag:s22], s20  }
0x9f: {  	s3 =	ssub.s32 $0x0, s20;
	[sflag:s22] =	ssyncset.done $0x0  }
0xa0: {  	[sflag:s22] =	ssyncadd.s32 s3;
	_ =	sdelay $0x1  }
0xa1: {  	s23 =	simm.s32 $0x1B8B  }
0xa2: {  	_ =	swait.ge [sflag:s23], $0x1  }
0xa3: {  	[sflag:s23] =	ssyncset.done $0x0  }
0xa4: {  	s25 =	simm.s32 $0x1B8E;
	s24 =	sld [smem:$0x3FFE];
	[sflag:s23] =	ssyncadd.s32 $0xFFFFFFFF  }
0xa5: {  	s26 =	simm.s32 $execute0_lowered;
	[smem:$0x3FD2] =	sst s25  }
0xa6: {  	s4 =	sshll.u32 s26, $0x1;
	_ =	strace $0x80000046;
	[dreg:$0x1] =	wrdreg $0xFFFFFFFF  }
0xa7: {  	s28 =	simm.s32 $_size_execute0_lowered;
	s2 =	sadd.s32 s2, s4;
	[dreg:$0x0] =	wrdreg $0x0  }
0xa8: {  	s4 =	sshll.u32 s28, $0x1;
	[dreg:$0x2] =	wrdreg s2  }
0xa9: {  	[dreg:$0x3] =	wrdreg s4  }
0xaa: {  	[dreg:$0x4] =	wrdreg $0xC0  }
0xab: {  	_ =	task [dreg:s6], $0x5FFFF  }
0xac: {  	[dreg:$0x1] =	wrdreg $0xFFFFFFFF  }
0xad: {  	[dreg:$0x0] =	wrdreg $0x60  }
0xae: {  	[dreg:$0x2] =	wrdreg s24  }
0xaf: {  	[dreg:$0x3] =	wrdreg $0x9  }
0xb0: {  	_ =	task.clear_ibuf [dreg:s6], $0x4FFFF;
	_ =	strace $0x90000046  }
0xb1: {  	s29 =	simm.s32 $0x9;
	_ =	strace $0x80000048  }
0xb2: {  	_ =	swait.ge [sflag:s29], $0x1  }
0xb3: {  	[sflag:s29] =	ssyncadd.s32 $0xFFFFFFFF  }
0xb4: {  	_ =	strace $0x90000048  }
0xb5: {  	_ =	sfence  }
0xb6: {  	s30 =	sld [smem:$0x0];
	_ =	sdelay $0x2  }
0xb7: {  	s31 =	sshll.u32 s1, $0xD;
	s1 =	sshrl.u32 s1, $0x2  }
0xb8: {  	s3 =	sand.u32 $0x4000, s31;
	s1 =	sadd.s32 s1, s30  }
0xb9: {  	s0 =	sor.u32 s3, s0;
	s1 =	sshll.u32 s1, $0x11  }
0xba: {  	s0 =	sor.u32 s1, s0  }
0xbb: {  	s0 =	sadd.s32 $0x8F2B, s0  }
0xbc: {  	[sflag:s0] =	ssyncadd.remote.s32 $0x1  }
0xbd: {  	_ =	sfence.sel $0xFFFF  }
0xbe: {  	[dreg:$0x0] =	wrdreg $0xFFFFFFFF;
	(pc) =	sbr.abs _section_cstart, $3  }
0xbf: {  	[dreg:$0x1] =	wrdreg $0xFFFFFFFF  }
0xc0: {  	_ =	task.clear_ibuf [dreg:s6], $0x2FFFF;
	_ =	strace $0x9FFFFFFF  }
0xc1: {  	(tm) =	ssettm $0x7FFFFFFF  }
tec
execute0_lowered:
.L_overlay_start_1:
0x0: {  	(tag) =	ssettag $0x1  }
0x1: {  	s1 =	srdreg.scid;
	s0 =	stileid.u32  }
0x2: {  	s3 =	rddreg [dreg:$0x0];
	s8 =	simm.s32 $0x80;
	s9 =	simm.s32 $0x400  }
0x3: {  	s4 =	sand.u32 $0x1, s1;
	s2 =	sshll.u32 s0, $0x1;
	s1 =	rddreg [dreg:$0x1]  }
0x4: {  	s6 =	sshrl.u32 s0, $0x2;
	s5 =	sor.u32 s4, s2;
	s2 =	simm.s32 $0x0  }
0x5: {  	s6 =	smul.u32 $0x14000, s6;
	s4 =	ssub.s32 $0x2, s4;
	s7 =	sshll.u32 s5, $0x7  }
0x6: {  	[smem:$0x7FF] =	sst s2;
	s5 =	smul.u32 $0x500, s5;
	s7 =	sand.u32 $0x380, s7  }
0x7: {  	s31 =	sshrl.u32 s4, $0x1;
	_ =	strace $0x80000047;
	s6 =	sor.u32 s6, s7  }
0x8: {  	s5 =	sadd.s32 s5, s3;
	s7 =	ssub.s32 s4, s31;
	s6 =	sshrl.u32 s6, $0x3  }
0x9: {  	s6 =	sadd.s32 s6, s3;
	s3 =	sadd.s32 $0x2200, s5;
	s5 =	smax.u32 s7, $0x1  }
0xa: {  	v0 =	vimm.f32 $0.0e+00;
	v1 =	vimm.f32 $1.000000000e+00;
	s7 =	simm.s32 $0x2800;
	s4 =	sadd.s32 $0xC200, s6;
	s6 =	simm.s32 $0x1  }
.LBB2_1:
0xb: {  	s10 =	simm.s32 $0x40;
	s11 =	simm.s32 $0x0  }
.LBB2_2:
0xc: {  	p0 =	sne.s32 s10, $0x9FC0;
	[tilespmem:s11+$0x2800] =	vst v0;
	s11 =	smov.u32 s10;
	s10 =	sadd.s32 $0x40, s10  }
.Ltmp0:
0xd: {  	(pc) =	sbr.rel @p0 .LBB2_2-.Ltmp0, $2  }
0xe: {  	_ =	sdelay $0x2  }
0xf: {  	s11 =	sshra.s32 s11, $0x2  }
0x10: {  	[tilespmem:s11+$0x2800] =	vst v0;
	s10 =	simm.s32 $0x0  }
0x11: {  	[tilespmem:s10], [sflag:$0x1] =	stream.linear.gather [hbm4b:s3+s10], $0x2780, $0x38;
	[tilespmem:$0x5000] =	vst v63  }
0x12: {  	_ =	swait.ge [sflag:s6], $0x2780  }
0x13: {  	[sflag:s6] =	ssyncset.done $0x0  }
0x14: {  	[sflag:s6] =	ssyncadd.s32 $0xFFFFD880  }
.LBB2_4:
0x15: {  	s11 =	sshra.s32 s10, $0x2  }
0x16: {  	v2 =	vld [tilespmem:s11+$0x0];
	_ =	sdelay $0x7  }
0x17: {  	[tilespmem:v2+s7+$0x0] =	vst.idx.add.f32.msk $0xffff, v1  }
0x18: {  	v2 =	vld [tilespmem:s11+$0x10];
	_ =	sdelay $0x7  }
0x19: {  	[tilespmem:v2+s7+$0x0] =	vst.idx.add.f32.msk $0xffff, v1  }
0x1a: {  	v2 =	vld [tilespmem:s11+$0x20];
	_ =	sdelay $0x7  }
0x1b: {  	[tilespmem:v2+s7+$0x0] =	vst.idx.add.f32.msk $0xffff, v1  }
0x1c: {  	v2 =	vld [tilespmem:s11+$0x30];
	_ =	sdelay $0x7  }
0x1d: {  	[tilespmem:v2+s7+$0x0] =	vst.idx.add.f32.msk $0xffff, v1  }
0x1e: {  	v2 =	vld [tilespmem:s11+$0x40];
	_ =	sdelay $0x7  }
0x1f: {  	[tilespmem:v2+s7+$0x0] =	vst.idx.add.f32.msk $0xffff, v1  }
0x20: {  	v2 =	vld [tilespmem:s11+$0x50];
	_ =	sdelay $0x7  }
0x21: {  	[tilespmem:v2+s7+$0x0] =	vst.idx.add.f32.msk $0xffff, v1  }
0x22: {  	v2 =	vld [tilespmem:s11+$0x60];
	_ =	sdelay $0x7  }
0x23: {  	[tilespmem:v2+s7+$0x0] =	vst.idx.add.f32.msk $0xffff, v1  }
0x24: {  	v2 =	vld [tilespmem:s11+$0x70];
	_ =	sdelay $0x2  }
0x25: {  	p0 =	sne.s32 s10, $0x9C00  }
.Ltmp1:
0x26: {  	_ = 	snop;
	(pc) =	sbr.rel @p0 .LBB2_4-.Ltmp1, $2  }
0x27: {  	_ =	sdelay $0x2  }
0x28: {  	s10 =	sadd.s32 $0x200, s10;
	[tilespmem:v2+s7+$0x0] =	vst.idx.add.f32.msk $0xffff, v1  }
0x29: {  	s2 =	sadd.s32 $0x1, s2  }
0x2a: {  	p0 =	sne.s32 s2, s5  }
.Ltmp2:
0x2b: {  	_ = 	snop;
	(pc) =	sbr.rel @p0 .LBB2_1-.Ltmp2, $4  }
0x2c: {  	[hbm4b:s4+s8] =	stream.strided.scatter [tilespmem:s7], [sflag:$0x1], $0x2800, s9, s8, $0x38;
	[tilespmem:$0x5000] =	vst v63  }
0x2d: {  	_ =	swait.ge [sflag:s6], $0x2800  }
0x2e: {  	[sflag:s6] =	ssyncset.done $0x0  }
0x2f: {  	[sflag:s6] =	ssyncadd.s32 $0xFFFFD800  }
0x30: {  	_ =	sfence.sel $0x180000  }
0x31: {  	[bflag:$0x0] =	sbarrier.arrive $0xFFFF  }
0x32: {  	p0 =	sne.s32 s0, $0x0;
	_ =	strace $0x90000047  }
0x33: {  	s0 =	sadd.s32 @!p0 $0x100000, s1;
	[bflag:$0x2] =	sbarrier.arrive $0xFFFF  }
0x34: {  	[sflag:s0] =	ssyncadd.tile.s32 @!p0 $0x1;
	_ =	shalt  }
.Lfunc_end2:
_tile_overlayer_lowered:
.L_overlay_start_2:
0x35: {  	(tag) =	ssettag $0x2  }
0x36: {  	s0 =	rddreg [dreg:$0x0];
	s2 =	stileid.u32  }
0x37: {  	s1 =	rddreg [dreg:$0x1];
	p0 =	sne.s32 s2, $0x0  }
0x38: {  	s3 =	rddreg [dreg:$0x2];
	[bflag:$0x3] =	sbarrier.arrive $0xFFFF;
	s2 =	simm.s32 @!p0 $0x1C01  }
0x39: {  	[timem:s3], [sflag:s2] =	dma.local @!p0 [hbm:s0], s1  }
0x3a: {  	s0 =	simm.s32 @!p0 $0x1  }
0x3b: {  	_ =	swait.ge @!p0 [sflag:s0], s1  }
0x3c: {  	s1 =	ssub.s32 @!p0 $0x0, s1;
	[sflag:s0] =	ssyncset.done @!p0 $0x0  }
0x3d: {  	[sflag:s0] =	ssyncadd.s32 @!p0 s1  }
0x3e: {  	[bflag:$0x3] =	sbarrier.arrive $0xFFFF  }
0x3f: {  	_ =	shalt  }

</sc_bundles>
